<compile_context>
chip_gen: v7x
topology: tpu7x:2x2x1
jax: 0.10.2.dev20260603
libtpu: 0.0.44.dev20260713+nightly
codegen_flags: <defaults>
</compile_context>

<pallas_src>
import functools

import jax
import jax.numpy as jnp
from jax import lax
from jax.experimental import pallas as pl
from jax.experimental.pallas import tpu as pltpu
from jax.experimental.pallas import tpu_sc as plsc

NC, NS, LANES = 2, 16, 16
NW = NC * NS
GCH = 128


def _make_sc_call(B, L, V):
    rows_per_w = B // NW
    nwords = rows_per_w * L
    nch = nwords // GCH
    nv = -(-L // LANES)
    rem = L - (nv - 1) * LANES

    def body(ids_hbm, w_hbm, b_hbm, out_hbm,
             ids_v, vals_v, buf_v, flat_v, out_v, b_v,
             w_sh, gsem, ssem, wsem):
        wid = lax.axis_index("s") * NC + lax.axis_index("c")
        base = wid * rows_per_w
        cpb = pltpu.async_copy(b_hbm, b_v, ssem)
        cpi = pltpu.async_copy(
            ids_hbm.at[pl.ds(pl.multiple_of(base * L, L), nwords)],
            ids_v, ssem)

        @pl.when(lax.axis_index("s") == 0)
        def _():
            pltpu.async_copy(w_hbm.at[0], w_sh, wsem).wait()
        cpb.wait()
        cpi.wait()
        plsc.subcore_barrier()
        iota = lax.iota(jnp.int32, LANES)
        lastm = iota < rem
        bias = plsc.load_gather(b_v, [jnp.zeros((LANES,), jnp.int32)])

        for c in range(nch):
            off = c * GCH
            pltpu.async_copy(
                w_sh.at[ids_v.at[pl.ds(off, GCH)]],
                vals_v.at[pl.ds(off, GCH)], gsem)

        def do_row(i, _):
            roff = pl.multiple_of(i * L, 8)
            pltpu.make_async_copy(
                out_hbm.at[pl.ds(0, L)],
                vals_v.at[pl.ds(roff, L)], gsem).wait()
            for k in range(nv - 1):
                idv = ids_v[pl.ds(roff + k * LANES, LANES)]
                plsc.store_scatter(buf_v, [idv], iota + (k * LANES))
            last_i = (i == rows_per_w - 1).astype(jnp.int32)
            shift = (LANES - rem) * last_i
            lo = pl.multiple_of(roff + (nv - 1) * LANES - shift, 8)
            lm = jnp.logical_xor(lastm, last_i > 0)
            pvec = iota + ((nv - 1) * LANES - shift)
            idl = ids_v[pl.ds(lo, LANES)]
            vll = vals_v[pl.ds(lo, LANES)]
            plsc.store_scatter(buf_v, [idl], pvec, mask=lm)
            acc = jnp.zeros((LANES,), jnp.float32)
            for k in range(nv - 1):
                idv = ids_v[pl.ds(roff + k * LANES, LANES)]
                back = plsc.load_gather(buf_v, [idv])
                keep = back == (iota + k * LANES)
                vals = vals_v[pl.ds(roff + k * LANES, LANES)]
                acc = acc + jnp.where(keep, vals, 0.0)
            backl = plsc.load_gather(buf_v, [idl])
            keepl = (backl == pvec) & lm
            acc = acc + jnp.where(keepl, vll, 0.0)
            foff = pl.multiple_of(lax.rem(i, LANES) * LANES, LANES)
            flat_v[pl.ds(foff, LANES)] = acc

            @pl.when(lax.rem(i, LANES) == LANES - 1)
            def _():
                tot = jnp.zeros((LANES,), jnp.float32)
                for l in range(LANES):
                    tot = tot + plsc.load_gather(flat_v, [iota * LANES + l])
                logits = tot + bias
                goff = pl.multiple_of(
                    (lax.div(i, LANES)) * LANES, LANES)
                out_v[pl.ds(goff, LANES)] = 1.0 / (1.0 + jnp.exp(-logits))
            return 0

        lax.fori_loop(0, rows_per_w, do_row, 0)
        pltpu.sync_copy(
            out_v,
            out_hbm.at[pl.ds(pl.multiple_of(base, rows_per_w), rows_per_w)])

    call = functools.partial(
        pl.kernel,
        out_type=jax.ShapeDtypeStruct((B,), jnp.float32),
        mesh=plsc.VectorSubcoreMesh(
            core_axis_name="c", subcore_axis_name="s",
            num_cores=NC, num_subcores=NS),
        compiler_params=pltpu.CompilerParams(needs_layout_passes=False),
        scratch_types=[
            pltpu.VMEM((nwords,), jnp.int32),
            pltpu.VMEM((nwords,), jnp.float32),
            pltpu.VMEM((V,), jnp.int32),
            pltpu.VMEM((LANES * LANES,), jnp.float32),
            pltpu.VMEM((rows_per_w,), jnp.float32),
            pltpu.VMEM((1,), jnp.float32),
            pltpu.VMEM_SHARED((V,), jnp.float32),
            pltpu.SemaphoreType.DMA,
            pltpu.SemaphoreType.DMA,
            pltpu.SemaphoreType.DMA,
        ],
    )(body)
    return call


def kernel(token_ids, W, b):
    B, L = token_ids.shape
    V = W.shape[1]
    call = _make_sc_call(B, L, V)
    ids = token_ids.astype(jnp.int32).reshape(-1)
    out = call(ids, W.astype(jnp.float32), b.astype(jnp.float32))
    return out.reshape(B, 1)

# --- scband reference (transcript-rebuilt; emitter-appended) ---
"""Pipeline reference for scband-simple-regression-model-22084721836458 (READ-ONLY COPY).

The authoritative reference and input builder live on the scoring server;
editing this copy changes nothing except your own understanding.
"""

import jax, jax.numpy as jnp
import numpy as np

B, L, V = 1024, 200, 100000

def setup_inputs(seed: int = 0) -> dict:
    key = jax.random.key(seed)
    k1, k2 = jax.random.split(key)
    token_ids = jax.random.randint(k1, (B, L), 0, V, dtype=jnp.int64 if jax.config.jax_enable_x64 else jnp.int32)
    # label_decoder: nn.Linear(V, 1) with xavier_uniform_ weight and zero bias
    limit = float(np.sqrt(6.0 / (V + 1)))
    W = jax.random.uniform(k2, (1, V), minval=-limit, maxval=limit, dtype=jnp.float32)
    b = jnp.zeros((1,), dtype=jnp.float32)
    return {"token_ids": token_ids, "W": W, "b": b}

def reference(token_ids, W, b):
    # input_vector = zeros(B, V); input_vector.scatter_(1, token_ids, 1)
    bsz = token_ids.shape[0]
    input_vector = jnp.zeros((bsz, V), dtype=jnp.float32)
    rows = jnp.arange(bsz)[:, None]
    input_vector = input_vector.at[rows, token_ids].set(1.0)
    # label_decoder + sigmoid
    logits = input_vector @ W.T + b
    return jax.nn.sigmoid(logits)

if __name__ == "__main__":
    import jax
    _d = setup_inputs()
    print(jax.jit(kernel)(*tuple(_d.values())))

</pallas_src>

<mosaic_0001>
#map = affine_map<(d0, d1) -> (0)>
#map1 = affine_map<(d0, d1) -> (0, 0)>
module attributes {stable_mosaic.version = 14 : i64} {
  func.func @body(%arg0: i32, %arg1: i32, %arg2: memref<204800xi32, #tpu.memory_space<hbm>>, %arg3: memref<1x100000xf32, #tpu.memory_space<hbm>>, %arg4: memref<1xf32, #tpu.memory_space<hbm>>, %arg5: memref<1024xf32, #tpu.memory_space<hbm>>, %arg6: memref<6400xi32, #tpu.memory_space<vmem>>, %arg7: memref<6400xf32, #tpu.memory_space<vmem>>, %arg8: memref<100000xi32, #tpu.memory_space<vmem>>, %arg9: memref<256xf32, #tpu.memory_space<vmem>>, %arg10: memref<32xf32, #tpu.memory_space<vmem>>, %arg11: memref<1xf32, #tpu.memory_space<vmem>>, %arg12: memref<100000xf32, #tpu.memory_space<vmem_shared>>, %arg13: memref<!tpu.dma_semaphore, #tpu.memory_space<semaphore_mem>>, %arg14: memref<!tpu.dma_semaphore, #tpu.memory_space<semaphore_mem>>, %arg15: memref<!tpu.dma_semaphore, #tpu.memory_space<semaphore_mem>>) attributes {dimension_semantics = [#tpu.dimension_semantics<core_parallel>, #tpu.dimension_semantics<subcore_parallel>], iteration_bounds = array<i64: 2, 16>, scalar_prefetch = 0 : i64, scratch_operands = 10 : i64, tpu.core_type = #tpu.core_type<sc_vector_subcore>, window_params = [{transform_indices = #map}, {transform_indices = #map1}, {transform_indices = #map}, {transform_indices = #map}]} {
    %mul3A = arith.constant 2 : i32
    %mul3A_0 = arith.muli %arg1, %mul3A : i32
    %add3A = arith.addi %mul3A_0, %arg0 : i32
    %mul3A_1 = arith.constant 32 : i32
    %mul3A_2 = arith.muli %add3A, %mul3A_1 : i32
    tpu.enqueue_dma source(%arg4 : memref<1xf32, #tpu.memory_space<hbm>>) target(%arg11 : memref<1xf32, #tpu.memory_space<vmem>>) target_semaphore(%arg14 : memref<!tpu.dma_semaphore, #tpu.memory_space<semaphore_mem>>)
    %mul3A_3 = arith.constant 200 : i32
    %mul3A_4 = arith.muli %mul3A_2, %mul3A_3 : i32
    %multiple_of3A = tpu.assume_multiple %mul3A_4, 200 : i32
    %dma_start3A = tpu.memref_slice %arg2[%multiple_of3A] : memref<204800xi32, #tpu.memory_space<hbm>> -> memref<6400xi32, #tpu.memory_space<hbm>>
    %dma_start3A_5 = tpu.memref_slice %arg2[%multiple_of3A] : memref<204800xi32, #tpu.memory_space<hbm>> -> memref<6400xi32, #tpu.memory_space<hbm>>
    tpu.enqueue_dma source(%dma_start3A_5 : memref<6400xi32, #tpu.memory_space<hbm>>) target(%arg6 : memref<6400xi32, #tpu.memory_space<vmem>>) target_semaphore(%arg14 : memref<!tpu.dma_semaphore, #tpu.memory_space<semaphore_mem>>)
    %eq3A = arith.constant 0 : i32
    %eq3A_6 = arith.cmpi eq, %arg1, %eq3A : i32
    %convert_element_type3A = arith.extui %eq3A_6 : i1 to i32
    %cond3A = arith.constant 0 : i32
    %cond3A_7 = arith.cmpi ne, %convert_element_type3A, %cond3A : i32
    scf.if %cond3A_7 {
      %dma_start3A_319 = arith.constant 0 : i32
      %dma_start3A_320 = arith.constant 0 : i32
      %dma_start3A_321 = tpu.memref_slice %arg3[%dma_start3A_319, %dma_start3A_320] : memref<1x100000xf32, #tpu.memory_space<hbm>> -> memref<1x100000xf32, #tpu.memory_space<hbm>>
      %dma_start3A_322 = tpu.memref_squeeze %dma_start3A_321 : memref<1x100000xf32, #tpu.memory_space<hbm>> -> memref<100000xf32, #tpu.memory_space<hbm>>
      tpu.enqueue_dma source(%dma_start3A_322 : memref<100000xf32, #tpu.memory_space<hbm>>) target(%arg12 : memref<100000xf32, #tpu.memory_space<vmem_shared>>) target_semaphore(%arg15 : memref<!tpu.dma_semaphore, #tpu.memory_space<semaphore_mem>>)
      %dma_wait3A_323 = arith.constant 0 : i32
      %dma_wait3A_324 = arith.constant 0 : i32
      %dma_wait3A_325 = tpu.memref_slice %arg3[%dma_wait3A_323, %dma_wait3A_324] : memref<1x100000xf32, #tpu.memory_space<hbm>> -> memref<1x100000xf32, #tpu.memory_space<hbm>>
      %dma_wait3A_326 = tpu.memref_squeeze %dma_wait3A_325 : memref<1x100000xf32, #tpu.memory_space<hbm>> -> memref<100000xf32, #tpu.memory_space<hbm>>
      tpu.wait_dma2 semaphore(%arg15 : memref<!tpu.dma_semaphore, #tpu.memory_space<semaphore_mem>>) src(%dma_wait3A_326 : memref<100000xf32, #tpu.memory_space<hbm>>) dst(%arg12 : memref<100000xf32, #tpu.memory_space<vmem_shared>>)
    } else {
    }
    tpu.wait_dma2 semaphore(%arg14 : memref<!tpu.dma_semaphore, #tpu.memory_space<semaphore_mem>>) src(%arg4 : memref<1xf32, #tpu.memory_space<hbm>>) dst(%arg11 : memref<1xf32, #tpu.memory_space<vmem>>)
    %dma_wait3A = tpu.memref_slice %arg2[%multiple_of3A] : memref<204800xi32, #tpu.memory_space<hbm>> -> memref<6400xi32, #tpu.memory_space<hbm>>
    %dma_wait3A_8 = tpu.memref_slice %arg2[%multiple_of3A] : memref<204800xi32, #tpu.memory_space<hbm>> -> memref<6400xi32, #tpu.memory_space<hbm>>
    tpu.wait_dma2 semaphore(%arg14 : memref<!tpu.dma_semaphore, #tpu.memory_space<semaphore_mem>>) src(%dma_wait3A_8 : memref<6400xi32, #tpu.memory_space<hbm>>) dst(%arg6 : memref<6400xi32, #tpu.memory_space<vmem>>)
    %barrier3A = arith.constant 0 : index
    tpu.barrier barrier_id(%barrier3A)
    %iota3A = tpu.iota {dimensions = array<i32: 0>} : vector<16xi32>
    %lt3A = arith.constant 8 : i32
    %lt3A_9 = vector.broadcast %lt3A : i32 to vector<16xi32>
    %lt3A_10 = arith.cmpi slt, %iota3A, %lt3A_9 : vector<16xi32>
    %broadcast_in_dim3A = arith.constant 0 : i32
    %broadcast_in_dim3A_11 = vector.broadcast %broadcast_in_dim3A : i32 to vector<16xi32>
    %gather3A = tpu.vector_load_idx %arg11[%broadcast_in_dim3A_11] : memref<1xf32, #tpu.memory_space<vmem>>[vector<16xi32>], vector<16xf32>,
    %dma_start3A_12 = arith.constant 0 : i32
    %dma_start3A_13 = tpu.memref_slice %arg7[%dma_start3A_12] : memref<6400xf32, #tpu.memory_space<vmem>> -> memref<128xf32, #tpu.memory_space<vmem>>
    %dma_start3A_14 = arith.constant 0 : i32
    %dma_start3A_15 = tpu.memref_slice %arg6[%dma_start3A_14] : memref<6400xi32, #tpu.memory_space<vmem>> -> memref<128xi32, #tpu.memory_space<vmem>>
    %dma_start3A_16 = arith.constant 0 : i32
    %dma_start3A_17 = tpu.memref_slice %arg12[%dma_start3A_16] : memref<100000xf32, #tpu.memory_space<vmem_shared>> -> memref<100000xf32, #tpu.memory_space<vmem_shared>>
    tpu.enqueue_indirect_dma source(%dma_start3A_17 : memref<100000xf32, #tpu.memory_space<vmem_shared>>) target(%dma_start3A_13 : memref<128xf32, #tpu.memory_space<vmem>>) offsets(%dma_start3A_15 : memref<128xi32, #tpu.memory_space<vmem>>) semaphore(%arg13 : memref<!tpu.dma_semaphore, #tpu.memory_space<semaphore_mem>>)
    %dma_start3A_18 = arith.constant 128 : i32
    %dma_start3A_19 = tpu.memref_slice %arg7[%dma_start3A_18] : memref<6400xf32, #tpu.memory_space<vmem>> -> memref<128xf32, #tpu.memory_space<vmem>>
    %dma_start3A_20 = arith.constant 128 : i32
    %dma_start3A_21 = tpu.memref_slice %arg6[%dma_start3A_20] : memref<6400xi32, #tpu.memory_space<vmem>> -> memref<128xi32, #tpu.memory_space<vmem>>
    %dma_start3A_22 = arith.constant 0 : i32
    %dma_start3A_23 = tpu.memref_slice %arg12[%dma_start3A_22] : memref<100000xf32, #tpu.memory_space<vmem_shared>> -> memref<100000xf32, #tpu.memory_space<vmem_shared>>
    tpu.enqueue_indirect_dma source(%dma_start3A_23 : memref<100000xf32, #tpu.memory_space<vmem_shared>>) target(%dma_start3A_19 : memref<128xf32, #tpu.memory_space<vmem>>) offsets(%dma_start3A_21 : memref<128xi32, #tpu.memory_space<vmem>>) semaphore(%arg13 : memref<!tpu.dma_semaphore, #tpu.memory_space<semaphore_mem>>)
    %dma_start3A_24 = arith.constant 256 : i32
    %dma_start3A_25 = tpu.memref_slice %arg7[%dma_start3A_24] : memref<6400xf32, #tpu.memory_space<vmem>> -> memref<128xf32, #tpu.memory_space<vmem>>
    %dma_start3A_26 = arith.constant 256 : i32
    %dma_start3A_27 = tpu.memref_slice %arg6[%dma_start3A_26] : memref<6400xi32, #tpu.memory_space<vmem>> -> memref<128xi32, #tpu.memory_space<vmem>>
    %dma_start3A_28 = arith.constant 0 : i32
    %dma_start3A_29 = tpu.memref_slice %arg12[%dma_start3A_28] : memref<100000xf32, #tpu.memory_space<vmem_shared>> -> memref<100000xf32, #tpu.memory_space<vmem_shared>>
    tpu.enqueue_indirect_dma source(%dma_start3A_29 : memref<100000xf32, #tpu.memory_space<vmem_shared>>) target(%dma_start3A_25 : memref<128xf32, #tpu.memory_space<vmem>>) offsets(%dma_start3A_27 : memref<128xi32, #tpu.memory_space<vmem>>) semaphore(%arg13 : memref<!tpu.dma_semaphore, #tpu.memory_space<semaphore_mem>>)
    %dma_start3A_30 = arith.constant 384 : i32
    %dma_start3A_31 = tpu.memref_slice %arg7[%dma_start3A_30] : memref<6400xf32, #tpu.memory_space<vmem>> -> memref<128xf32, #tpu.memory_space<vmem>>
    %dma_start3A_32 = arith.constant 384 : i32
    %dma_start3A_33 = tpu.memref_slice %arg6[%dma_start3A_32] : memref<6400xi32, #tpu.memory_space<vmem>> -> memref<128xi32, #tpu.memory_space<vmem>>
    %dma_start3A_34 = arith.constant 0 : i32
    %dma_start3A_35 = tpu.memref_slice %arg12[%dma_start3A_34] : memref<100000xf32, #tpu.memory_space<vmem_shared>> -> memref<100000xf32, #tpu.memory_space<vmem_shared>>
    tpu.enqueue_indirect_dma source(%dma_start3A_35 : memref<100000xf32, #tpu.memory_space<vmem_shared>>) target(%dma_start3A_31 : memref<128xf32, #tpu.memory_space<vmem>>) offsets(%dma_start3A_33 : memref<128xi32, #tpu.memory_space<vmem>>) semaphore(%arg13 : memref<!tpu.dma_semaphore, #tpu.memory_space<semaphore_mem>>)
    %dma_start3A_36 = arith.constant 512 : i32
    %dma_start3A_37 = tpu.memref_slice %arg7[%dma_start3A_36] : memref<6400xf32, #tpu.memory_space<vmem>> -> memref<128xf32, #tpu.memory_space<vmem>>
    %dma_start3A_38 = arith.constant 512 : i32
    %dma_start3A_39 = tpu.memref_slice %arg6[%dma_start3A_38] : memref<6400xi32, #tpu.memory_space<vmem>> -> memref<128xi32, #tpu.memory_space<vmem>>
    %dma_start3A_40 = arith.constant 0 : i32
    %dma_start3A_41 = tpu.memref_slice %arg12[%dma_start3A_40] : memref<100000xf32, #tpu.memory_space<vmem_shared>> -> memref<100000xf32, #tpu.memory_space<vmem_shared>>
    tpu.enqueue_indirect_dma source(%dma_start3A_41 : memref<100000xf32, #tpu.memory_space<vmem_shared>>) target(%dma_start3A_37 : memref<128xf32, #tpu.memory_space<vmem>>) offsets(%dma_start3A_39 : memref<128xi32, #tpu.memory_space<vmem>>) semaphore(%arg13 : memref<!tpu.dma_semaphore, #tpu.memory_space<semaphore_mem>>)
    %dma_start3A_42 = arith.constant 640 : i32
    %dma_start3A_43 = tpu.memref_slice %arg7[%dma_start3A_42] : memref<6400xf32, #tpu.memory_space<vmem>> -> memref<128xf32, #tpu.memory_space<vmem>>
    %dma_start3A_44 = arith.constant 640 : i32
    %dma_start3A_45 = tpu.memref_slice %arg6[%dma_start3A_44] : memref<6400xi32, #tpu.memory_space<vmem>> -> memref<128xi32, #tpu.memory_space<vmem>>
    %dma_start3A_46 = arith.constant 0 : i32
    %dma_start3A_47 = tpu.memref_slice %arg12[%dma_start3A_46] : memref<100000xf32, #tpu.memory_space<vmem_shared>> -> memref<100000xf32, #tpu.memory_space<vmem_shared>>
    tpu.enqueue_indirect_dma source(%dma_start3A_47 : memref<100000xf32, #tpu.memory_space<vmem_shared>>) target(%dma_start3A_43 : memref<128xf32, #tpu.memory_space<vmem>>) offsets(%dma_start3A_45 : memref<128xi32, #tpu.memory_space<vmem>>) semaphore(%arg13 : memref<!tpu.dma_semaphore, #tpu.memory_space<semaphore_mem>>)
    %dma_start3A_48 = arith.constant 768 : i32
    %dma_start3A_49 = tpu.memref_slice %arg7[%dma_start3A_48] : memref<6400xf32, #tpu.memory_space<vmem>> -> memref<128xf32, #tpu.memory_space<vmem>>
    %dma_start3A_50 = arith.constant 768 : i32
    %dma_start3A_51 = tpu.memref_slice %arg6[%dma_start3A_50] : memref<6400xi32, #tpu.memory_space<vmem>> -> memref<128xi32, #tpu.memory_space<vmem>>
    %dma_start3A_52 = arith.constant 0 : i32
    %dma_start3A_53 = tpu.memref_slice %arg12[%dma_start3A_52] : memref<100000xf32, #tpu.memory_space<vmem_shared>> -> memref<100000xf32, #tpu.memory_space<vmem_shared>>
    tpu.enqueue_indirect_dma source(%dma_start3A_53 : memref<100000xf32, #tpu.memory_space<vmem_shared>>) target(%dma_start3A_49 : memref<128xf32, #tpu.memory_space<vmem>>) offsets(%dma_start3A_51 : memref<128xi32, #tpu.memory_space<vmem>>) semaphore(%arg13 : memref<!tpu.dma_semaphore, #tpu.memory_space<semaphore_mem>>)
    %dma_start3A_54 = arith.constant 896 : i32
    %dma_start3A_55 = tpu.memref_slice %arg7[%dma_start3A_54] : memref<6400xf32, #tpu.memory_space<vmem>> -> memref<128xf32, #tpu.memory_space<vmem>>
    %dma_start3A_56 = arith.constant 896 : i32
    %dma_start3A_57 = tpu.memref_slice %arg6[%dma_start3A_56] : memref<6400xi32, #tpu.memory_space<vmem>> -> memref<128xi32, #tpu.memory_space<vmem>>
    %dma_start3A_58 = arith.constant 0 : i32
    %dma_start3A_59 = tpu.memref_slice %arg12[%dma_start3A_58] : memref<100000xf32, #tpu.memory_space<vmem_shared>> -> memref<100000xf32, #tpu.memory_space<vmem_shared>>
    tpu.enqueue_indirect_dma source(%dma_start3A_59 : memref<100000xf32, #tpu.memory_space<vmem_shared>>) target(%dma_start3A_55 : memref<128xf32, #tpu.memory_space<vmem>>) offsets(%dma_start3A_57 : memref<128xi32, #tpu.memory_space<vmem>>) semaphore(%arg13 : memref<!tpu.dma_semaphore, #tpu.memory_space<semaphore_mem>>)
    %dma_start3A_60 = arith.constant 1024 : i32
    %dma_start3A_61 = tpu.memref_slice %arg7[%dma_start3A_60] : memref<6400xf32, #tpu.memory_space<vmem>> -> memref<128xf32, #tpu.memory_space<vmem>>
    %dma_start3A_62 = arith.constant 1024 : i32
    %dma_start3A_63 = tpu.memref_slice %arg6[%dma_start3A_62] : memref<6400xi32, #tpu.memory_space<vmem>> -> memref<128xi32, #tpu.memory_space<vmem>>
    %dma_start3A_64 = arith.constant 0 : i32
    %dma_start3A_65 = tpu.memref_slice %arg12[%dma_start3A_64] : memref<100000xf32, #tpu.memory_space<vmem_shared>> -> memref<100000xf32, #tpu.memory_space<vmem_shared>>
    tpu.enqueue_indirect_dma source(%dma_start3A_65 : memref<100000xf32, #tpu.memory_space<vmem_shared>>) target(%dma_start3A_61 : memref<128xf32, #tpu.memory_space<vmem>>) offsets(%dma_start3A_63 : memref<128xi32, #tpu.memory_space<vmem>>) semaphore(%arg13 : memref<!tpu.dma_semaphore, #tpu.memory_space<semaphore_mem>>)
    %dma_start3A_66 = arith.constant 1152 : i32
    %dma_start3A_67 = tpu.memref_slice %arg7[%dma_start3A_66] : memref<6400xf32, #tpu.memory_space<vmem>> -> memref<128xf32, #tpu.memory_space<vmem>>
    %dma_start3A_68 = arith.constant 1152 : i32
    %dma_start3A_69 = tpu.memref_slice %arg6[%dma_start3A_68] : memref<6400xi32, #tpu.memory_space<vmem>> -> memref<128xi32, #tpu.memory_space<vmem>>
    %dma_start3A_70 = arith.constant 0 : i32
    %dma_start3A_71 = tpu.memref_slice %arg12[%dma_start3A_70] : memref<100000xf32, #tpu.memory_space<vmem_shared>> -> memref<100000xf32, #tpu.memory_space<vmem_shared>>
    tpu.enqueue_indirect_dma source(%dma_start3A_71 : memref<100000xf32, #tpu.memory_space<vmem_shared>>) target(%dma_start3A_67 : memref<128xf32, #tpu.memory_space<vmem>>) offsets(%dma_start3A_69 : memref<128xi32, #tpu.memory_space<vmem>>) semaphore(%arg13 : memref<!tpu.dma_semaphore, #tpu.memory_space<semaphore_mem>>)
    %dma_start3A_72 = arith.constant 1280 : i32
    %dma_start3A_73 = tpu.memref_slice %arg7[%dma_start3A_72] : memref<6400xf32, #tpu.memory_space<vmem>> -> memref<128xf32, #tpu.memory_space<vmem>>
    %dma_start3A_74 = arith.constant 1280 : i32
    %dma_start3A_75 = tpu.memref_slice %arg6[%dma_start3A_74] : memref<6400xi32, #tpu.memory_space<vmem>> -> memref<128xi32, #tpu.memory_space<vmem>>
    %dma_start3A_76 = arith.constant 0 : i32
    %dma_start3A_77 = tpu.memref_slice %arg12[%dma_start3A_76] : memref<100000xf32, #tpu.memory_space<vmem_shared>> -> memref<100000xf32, #tpu.memory_space<vmem_shared>>
    tpu.enqueue_indirect_dma source(%dma_start3A_77 : memref<100000xf32, #tpu.memory_space<vmem_shared>>) target(%dma_start3A_73 : memref<128xf32, #tpu.memory_space<vmem>>) offsets(%dma_start3A_75 : memref<128xi32, #tpu.memory_space<vmem>>) semaphore(%arg13 : memref<!tpu.dma_semaphore, #tpu.memory_space<semaphore_mem>>)
    %dma_start3A_78 = arith.constant 1408 : i32
    %dma_start3A_79 = tpu.memref_slice %arg7[%dma_start3A_78] : memref<6400xf32, #tpu.memory_space<vmem>> -> memref<128xf32, #tpu.memory_space<vmem>>
    %dma_start3A_80 = arith.constant 1408 : i32
    %dma_start3A_81 = tpu.memref_slice %arg6[%dma_start3A_80] : memref<6400xi32, #tpu.memory_space<vmem>> -> memref<128xi32, #tpu.memory_space<vmem>>
    %dma_start3A_82 = arith.constant 0 : i32
    %dma_start3A_83 = tpu.memref_slice %arg12[%dma_start3A_82] : memref<100000xf32, #tpu.memory_space<vmem_shared>> -> memref<100000xf32, #tpu.memory_space<vmem_shared>>
    tpu.enqueue_indirect_dma source(%dma_start3A_83 : memref<100000xf32, #tpu.memory_space<vmem_shared>>) target(%dma_start3A_79 : memref<128xf32, #tpu.memory_space<vmem>>) offsets(%dma_start3A_81 : memref<128xi32, #tpu.memory_space<vmem>>) semaphore(%arg13 : memref<!tpu.dma_semaphore, #tpu.memory_space<semaphore_mem>>)
    %dma_start3A_84 = arith.constant 1536 : i32
    %dma_start3A_85 = tpu.memref_slice %arg7[%dma_start3A_84] : memref<6400xf32, #tpu.memory_space<vmem>> -> memref<128xf32, #tpu.memory_space<vmem>>
    %dma_start3A_86 = arith.constant 1536 : i32
    %dma_start3A_87 = tpu.memref_slice %arg6[%dma_start3A_86] : memref<6400xi32, #tpu.memory_space<vmem>> -> memref<128xi32, #tpu.memory_space<vmem>>
    %dma_start3A_88 = arith.constant 0 : i32
    %dma_start3A_89 = tpu.memref_slice %arg12[%dma_start3A_88] : memref<100000xf32, #tpu.memory_space<vmem_shared>> -> memref<100000xf32, #tpu.memory_space<vmem_shared>>
    tpu.enqueue_indirect_dma source(%dma_start3A_89 : memref<100000xf32, #tpu.memory_space<vmem_shared>>) target(%dma_start3A_85 : memref<128xf32, #tpu.memory_space<vmem>>) offsets(%dma_start3A_87 : memref<128xi32, #tpu.memory_space<vmem>>) semaphore(%arg13 : memref<!tpu.dma_semaphore, #tpu.memory_space<semaphore_mem>>)
    %dma_start3A_90 = arith.constant 1664 : i32
    %dma_start3A_91 = tpu.memref_slice %arg7[%dma_start3A_90] : memref<6400xf32, #tpu.memory_space<vmem>> -> memref<128xf32, #tpu.memory_space<vmem>>
    %dma_start3A_92 = arith.constant 1664 : i32
    %dma_start3A_93 = tpu.memref_slice %arg6[%dma_start3A_92] : memref<6400xi32, #tpu.memory_space<vmem>> -> memref<128xi32, #tpu.memory_space<vmem>>
    %dma_start3A_94 = arith.constant 0 : i32
    %dma_start3A_95 = tpu.memref_slice %arg12[%dma_start3A_94] : memref<100000xf32, #tpu.memory_space<vmem_shared>> -> memref<100000xf32, #tpu.memory_space<vmem_shared>>
    tpu.enqueue_indirect_dma source(%dma_start3A_95 : memref<100000xf32, #tpu.memory_space<vmem_shared>>) target(%dma_start3A_91 : memref<128xf32, #tpu.memory_space<vmem>>) offsets(%dma_start3A_93 : memref<128xi32, #tpu.memory_space<vmem>>) semaphore(%arg13 : memref<!tpu.dma_semaphore, #tpu.memory_space<semaphore_mem>>)
    %dma_start3A_96 = arith.constant 1792 : i32
    %dma_start3A_97 = tpu.memref_slice %arg7[%dma_start3A_96] : memref<6400xf32, #tpu.memory_space<vmem>> -> memref<128xf32, #tpu.memory_space<vmem>>
    %dma_start3A_98 = arith.constant 1792 : i32
    %dma_start3A_99 = tpu.memref_slice %arg6[%dma_start3A_98] : memref<6400xi32, #tpu.memory_space<vmem>> -> memref<128xi32, #tpu.memory_space<vmem>>
    %dma_start3A_100 = arith.constant 0 : i32
    %dma_start3A_101 = tpu.memref_slice %arg12[%dma_start3A_100] : memref<100000xf32, #tpu.memory_space<vmem_shared>> -> memref<100000xf32, #tpu.memory_space<vmem_shared>>
    tpu.enqueue_indirect_dma source(%dma_start3A_101 : memref<100000xf32, #tpu.memory_space<vmem_shared>>) target(%dma_start3A_97 : memref<128xf32, #tpu.memory_space<vmem>>) offsets(%dma_start3A_99 : memref<128xi32, #tpu.memory_space<vmem>>) semaphore(%arg13 : memref<!tpu.dma_semaphore, #tpu.memory_space<semaphore_mem>>)
    %dma_start3A_102 = arith.constant 1920 : i32
    %dma_start3A_103 = tpu.memref_slice %arg7[%dma_start3A_102] : memref<6400xf32, #tpu.memory_space<vmem>> -> memref<128xf32, #tpu.memory_space<vmem>>
    %dma_start3A_104 = arith.constant 1920 : i32
    %dma_start3A_105 = tpu.memref_slice %arg6[%dma_start3A_104] : memref<6400xi32, #tpu.memory_space<vmem>> -> memref<128xi32, #tpu.memory_space<vmem>>
    %dma_start3A_106 = arith.constant 0 : i32
    %dma_start3A_107 = tpu.memref_slice %arg12[%dma_start3A_106] : memref<100000xf32, #tpu.memory_space<vmem_shared>> -> memref<100000xf32, #tpu.memory_space<vmem_shared>>
    tpu.enqueue_indirect_dma source(%dma_start3A_107 : memref<100000xf32, #tpu.memory_space<vmem_shared>>) target(%dma_start3A_103 : memref<128xf32, #tpu.memory_space<vmem>>) offsets(%dma_start3A_105 : memref<128xi32, #tpu.memory_space<vmem>>) semaphore(%arg13 : memref<!tpu.dma_semaphore, #tpu.memory_space<semaphore_mem>>)
    %dma_start3A_108 = arith.constant 2048 : i32
    %dma_start3A_109 = tpu.memref_slice %arg7[%dma_start3A_108] : memref<6400xf32, #tpu.memory_space<vmem>> -> memref<128xf32, #tpu.memory_space<vmem>>
    %dma_start3A_110 = arith.constant 2048 : i32
    %dma_start3A_111 = tpu.memref_slice %arg6[%dma_start3A_110] : memref<6400xi32, #tpu.memory_space<vmem>> -> memref<128xi32, #tpu.memory_space<vmem>>
    %dma_start3A_112 = arith.constant 0 : i32
    %dma_start3A_113 = tpu.memref_slice %arg12[%dma_start3A_112] : memref<100000xf32, #tpu.memory_space<vmem_shared>> -> memref<100000xf32, #tpu.memory_space<vmem_shared>>
    tpu.enqueue_indirect_dma source(%dma_start3A_113 : memref<100000xf32, #tpu.memory_space<vmem_shared>>) target(%dma_start3A_109 : memref<128xf32, #tpu.memory_space<vmem>>) offsets(%dma_start3A_111 : memref<128xi32, #tpu.memory_space<vmem>>) semaphore(%arg13 : memref<!tpu.dma_semaphore, #tpu.memory_space<semaphore_mem>>)
    %dma_start3A_114 = arith.constant 2176 : i32
    %dma_start3A_115 = tpu.memref_slice %arg7[%dma_start3A_114] : memref<6400xf32, #tpu.memory_space<vmem>> -> memref<128xf32, #tpu.memory_space<vmem>>
    %dma_start3A_116 = arith.constant 2176 : i32
    %dma_start3A_117 = tpu.memref_slice %arg6[%dma_start3A_116] : memref<6400xi32, #tpu.memory_space<vmem>> -> memref<128xi32, #tpu.memory_space<vmem>>
    %dma_start3A_118 = arith.constant 0 : i32
    %dma_start3A_119 = tpu.memref_slice %arg12[%dma_start3A_118] : memref<100000xf32, #tpu.memory_space<vmem_shared>> -> memref<100000xf32, #tpu.memory_space<vmem_shared>>
    tpu.enqueue_indirect_dma source(%dma_start3A_119 : memref<100000xf32, #tpu.memory_space<vmem_shared>>) target(%dma_start3A_115 : memref<128xf32, #tpu.memory_space<vmem>>) offsets(%dma_start3A_117 : memref<128xi32, #tpu.memory_space<vmem>>) semaphore(%arg13 : memref<!tpu.dma_semaphore, #tpu.memory_space<semaphore_mem>>)
    %dma_start3A_120 = arith.constant 2304 : i32
    %dma_start3A_121 = tpu.memref_slice %arg7[%dma_start3A_120] : memref<6400xf32, #tpu.memory_space<vmem>> -> memref<128xf32, #tpu.memory_space<vmem>>
    %dma_start3A_122 = arith.constant 2304 : i32
    %dma_start3A_123 = tpu.memref_slice %arg6[%dma_start3A_122] : memref<6400xi32, #tpu.memory_space<vmem>> -> memref<128xi32, #tpu.memory_space<vmem>>
    %dma_start3A_124 = arith.constant 0 : i32
    %dma_start3A_125 = tpu.memref_slice %arg12[%dma_start3A_124] : memref<100000xf32, #tpu.memory_space<vmem_shared>> -> memref<100000xf32, #tpu.memory_space<vmem_shared>>
    tpu.enqueue_indirect_dma source(%dma_start3A_125 : memref<100000xf32, #tpu.memory_space<vmem_shared>>) target(%dma_start3A_121 : memref<128xf32, #tpu.memory_space<vmem>>) offsets(%dma_start3A_123 : memref<128xi32, #tpu.memory_space<vmem>>) semaphore(%arg13 : memref<!tpu.dma_semaphore, #tpu.memory_space<semaphore_mem>>)
    %dma_start3A_126 = arith.constant 2432 : i32
    %dma_start3A_127 = tpu.memref_slice %arg7[%dma_start3A_126] : memref<6400xf32, #tpu.memory_space<vmem>> -> memref<128xf32, #tpu.memory_space<vmem>>
    %dma_start3A_128 = arith.constant 2432 : i32
    %dma_start3A_129 = tpu.memref_slice %arg6[%dma_start3A_128] : memref<6400xi32, #tpu.memory_space<vmem>> -> memref<128xi32, #tpu.memory_space<vmem>>
    %dma_start3A_130 = arith.constant 0 : i32
    %dma_start3A_131 = tpu.memref_slice %arg12[%dma_start3A_130] : memref<100000xf32, #tpu.memory_space<vmem_shared>> -> memref<100000xf32, #tpu.memory_space<vmem_shared>>
    tpu.enqueue_indirect_dma source(%dma_start3A_131 : memref<100000xf32, #tpu.memory_space<vmem_shared>>) target(%dma_start3A_127 : memref<128xf32, #tpu.memory_space<vmem>>) offsets(%dma_start3A_129 : memref<128xi32, #tpu.memory_space<vmem>>) semaphore(%arg13 : memref<!tpu.dma_semaphore, #tpu.memory_space<semaphore_mem>>)
    %dma_start3A_132 = arith.constant 2560 : i32
    %dma_start3A_133 = tpu.memref_slice %arg7[%dma_start3A_132] : memref<6400xf32, #tpu.memory_space<vmem>> -> memref<128xf32, #tpu.memory_space<vmem>>
    %dma_start3A_134 = arith.constant 2560 : i32
    %dma_start3A_135 = tpu.memref_slice %arg6[%dma_start3A_134] : memref<6400xi32, #tpu.memory_space<vmem>> -> memref<128xi32, #tpu.memory_space<vmem>>
    %dma_start3A_136 = arith.constant 0 : i32
    %dma_start3A_137 = tpu.memref_slice %arg12[%dma_start3A_136] : memref<100000xf32, #tpu.memory_space<vmem_shared>> -> memref<100000xf32, #tpu.memory_space<vmem_shared>>
    tpu.enqueue_indirect_dma source(%dma_start3A_137 : memref<100000xf32, #tpu.memory_space<vmem_shared>>) target(%dma_start3A_133 : memref<128xf32, #tpu.memory_space<vmem>>) offsets(%dma_start3A_135 : memref<128xi32, #tpu.memory_space<vmem>>) semaphore(%arg13 : memref<!tpu.dma_semaphore, #tpu.memory_space<semaphore_mem>>)
    %dma_start3A_138 = arith.constant 2688 : i32
    %dma_start3A_139 = tpu.memref_slice %arg7[%dma_start3A_138] : memref<6400xf32, #tpu.memory_space<vmem>> -> memref<128xf32, #tpu.memory_space<vmem>>
    %dma_start3A_140 = arith.constant 2688 : i32
    %dma_start3A_141 = tpu.memref_slice %arg6[%dma_start3A_140] : memref<6400xi32, #tpu.memory_space<vmem>> -> memref<128xi32, #tpu.memory_space<vmem>>
    %dma_start3A_142 = arith.constant 0 : i32
    %dma_start3A_143 = tpu.memref_slice %arg12[%dma_start3A_142] : memref<100000xf32, #tpu.memory_space<vmem_shared>> -> memref<100000xf32, #tpu.memory_space<vmem_shared>>
    tpu.enqueue_indirect_dma source(%dma_start3A_143 : memref<100000xf32, #tpu.memory_space<vmem_shared>>) target(%dma_start3A_139 : memref<128xf32, #tpu.memory_space<vmem>>) offsets(%dma_start3A_141 : memref<128xi32, #tpu.memory_space<vmem>>) semaphore(%arg13 : memref<!tpu.dma_semaphore, #tpu.memory_space<semaphore_mem>>)
    %dma_start3A_144 = arith.constant 2816 : i32
    %dma_start3A_145 = tpu.memref_slice %arg7[%dma_start3A_144] : memref<6400xf32, #tpu.memory_space<vmem>> -> memref<128xf32, #tpu.memory_space<vmem>>
    %dma_start3A_146 = arith.constant 2816 : i32
    %dma_start3A_147 = tpu.memref_slice %arg6[%dma_start3A_146] : memref<6400xi32, #tpu.memory_space<vmem>> -> memref<128xi32, #tpu.memory_space<vmem>>
    %dma_start3A_148 = arith.constant 0 : i32
    %dma_start3A_149 = tpu.memref_slice %arg12[%dma_start3A_148] : memref<100000xf32, #tpu.memory_space<vmem_shared>> -> memref<100000xf32, #tpu.memory_space<vmem_shared>>
    tpu.enqueue_indirect_dma source(%dma_start3A_149 : memref<100000xf32, #tpu.memory_space<vmem_shared>>) target(%dma_start3A_145 : memref<128xf32, #tpu.memory_space<vmem>>) offsets(%dma_start3A_147 : memref<128xi32, #tpu.memory_space<vmem>>) semaphore(%arg13 : memref<!tpu.dma_semaphore, #tpu.memory_space<semaphore_mem>>)
    %dma_start3A_150 = arith.constant 2944 : i32
    %dma_start3A_151 = tpu.memref_slice %arg7[%dma_start3A_150] : memref<6400xf32, #tpu.memory_space<vmem>> -> memref<128xf32, #tpu.memory_space<vmem>>
    %dma_start3A_152 = arith.constant 2944 : i32
    %dma_start3A_153 = tpu.memref_slice %arg6[%dma_start3A_152] : memref<6400xi32, #tpu.memory_space<vmem>> -> memref<128xi32, #tpu.memory_space<vmem>>
    %dma_start3A_154 = arith.constant 0 : i32
    %dma_start3A_155 = tpu.memref_slice %arg12[%dma_start3A_154] : memref<100000xf32, #tpu.memory_space<vmem_shared>> -> memref<100000xf32, #tpu.memory_space<vmem_shared>>
    tpu.enqueue_indirect_dma source(%dma_start3A_155 : memref<100000xf32, #tpu.memory_space<vmem_shared>>) target(%dma_start3A_151 : memref<128xf32, #tpu.memory_space<vmem>>) offsets(%dma_start3A_153 : memref<128xi32, #tpu.memory_space<vmem>>) semaphore(%arg13 : memref<!tpu.dma_semaphore, #tpu.memory_space<semaphore_mem>>)
    %dma_start3A_156 = arith.constant 3072 : i32
    %dma_start3A_157 = tpu.memref_slice %arg7[%dma_start3A_156] : memref<6400xf32, #tpu.memory_space<vmem>> -> memref<128xf32, #tpu.memory_space<vmem>>
    %dma_start3A_158 = arith.constant 3072 : i32
    %dma_start3A_159 = tpu.memref_slice %arg6[%dma_start3A_158] : memref<6400xi32, #tpu.memory_space<vmem>> -> memref<128xi32, #tpu.memory_space<vmem>>
    %dma_start3A_160 = arith.constant 0 : i32
    %dma_start3A_161 = tpu.memref_slice %arg12[%dma_start3A_160] : memref<100000xf32, #tpu.memory_space<vmem_shared>> -> memref<100000xf32, #tpu.memory_space<vmem_shared>>
    tpu.enqueue_indirect_dma source(%dma_start3A_161 : memref<100000xf32, #tpu.memory_space<vmem_shared>>) target(%dma_start3A_157 : memref<128xf32, #tpu.memory_space<vmem>>) offsets(%dma_start3A_159 : memref<128xi32, #tpu.memory_space<vmem>>) semaphore(%arg13 : memref<!tpu.dma_semaphore, #tpu.memory_space<semaphore_mem>>)
    %dma_start3A_162 = arith.constant 3200 : i32
    %dma_start3A_163 = tpu.memref_slice %arg7[%dma_start3A_162] : memref<6400xf32, #tpu.memory_space<vmem>> -> memref<128xf32, #tpu.memory_space<vmem>>
    %dma_start3A_164 = arith.constant 3200 : i32
    %dma_start3A_165 = tpu.memref_slice %arg6[%dma_start3A_164] : memref<6400xi32, #tpu.memory_space<vmem>> -> memref<128xi32, #tpu.memory_space<vmem>>
    %dma_start3A_166 = arith.constant 0 : i32
    %dma_start3A_167 = tpu.memref_slice %arg12[%dma_start3A_166] : memref<100000xf32, #tpu.memory_space<vmem_shared>> -> memref<100000xf32, #tpu.memory_space<vmem_shared>>
    tpu.enqueue_indirect_dma source(%dma_start3A_167 : memref<100000xf32, #tpu.memory_space<vmem_shared>>) target(%dma_start3A_163 : memref<128xf32, #tpu.memory_space<vmem>>) offsets(%dma_start3A_165 : memref<128xi32, #tpu.memory_space<vmem>>) semaphore(%arg13 : memref<!tpu.dma_semaphore, #tpu.memory_space<semaphore_mem>>)
    %dma_start3A_168 = arith.constant 3328 : i32
    %dma_start3A_169 = tpu.memref_slice %arg7[%dma_start3A_168] : memref<6400xf32, #tpu.memory_space<vmem>> -> memref<128xf32, #tpu.memory_space<vmem>>
    %dma_start3A_170 = arith.constant 3328 : i32
    %dma_start3A_171 = tpu.memref_slice %arg6[%dma_start3A_170] : memref<6400xi32, #tpu.memory_space<vmem>> -> memref<128xi32, #tpu.memory_space<vmem>>
    %dma_start3A_172 = arith.constant 0 : i32
    %dma_start3A_173 = tpu.memref_slice %arg12[%dma_start3A_172] : memref<100000xf32, #tpu.memory_space<vmem_shared>> -> memref<100000xf32, #tpu.memory_space<vmem_shared>>
    tpu.enqueue_indirect_dma source(%dma_start3A_173 : memref<100000xf32, #tpu.memory_space<vmem_shared>>) target(%dma_start3A_169 : memref<128xf32, #tpu.memory_space<vmem>>) offsets(%dma_start3A_171 : memref<128xi32, #tpu.memory_space<vmem>>) semaphore(%arg13 : memref<!tpu.dma_semaphore, #tpu.memory_space<semaphore_mem>>)
    %dma_start3A_174 = arith.constant 3456 : i32
    %dma_start3A_175 = tpu.memref_slice %arg7[%dma_start3A_174] : memref<6400xf32, #tpu.memory_space<vmem>> -> memref<128xf32, #tpu.memory_space<vmem>>
    %dma_start3A_176 = arith.constant 3456 : i32
    %dma_start3A_177 = tpu.memref_slice %arg6[%dma_start3A_176] : memref<6400xi32, #tpu.memory_space<vmem>> -> memref<128xi32, #tpu.memory_space<vmem>>
    %dma_start3A_178 = arith.constant 0 : i32
    %dma_start3A_179 = tpu.memref_slice %arg12[%dma_start3A_178] : memref<100000xf32, #tpu.memory_space<vmem_shared>> -> memref<100000xf32, #tpu.memory_space<vmem_shared>>
    tpu.enqueue_indirect_dma source(%dma_start3A_179 : memref<100000xf32, #tpu.memory_space<vmem_shared>>) target(%dma_start3A_175 : memref<128xf32, #tpu.memory_space<vmem>>) offsets(%dma_start3A_177 : memref<128xi32, #tpu.memory_space<vmem>>) semaphore(%arg13 : memref<!tpu.dma_semaphore, #tpu.memory_space<semaphore_mem>>)
    %dma_start3A_180 = arith.constant 3584 : i32
    %dma_start3A_181 = tpu.memref_slice %arg7[%dma_start3A_180] : memref<6400xf32, #tpu.memory_space<vmem>> -> memref<128xf32, #tpu.memory_space<vmem>>
    %dma_start3A_182 = arith.constant 3584 : i32
    %dma_start3A_183 = tpu.memref_slice %arg6[%dma_start3A_182] : memref<6400xi32, #tpu.memory_space<vmem>> -> memref<128xi32, #tpu.memory_space<vmem>>
    %dma_start3A_184 = arith.constant 0 : i32
    %dma_start3A_185 = tpu.memref_slice %arg12[%dma_start3A_184] : memref<100000xf32, #tpu.memory_space<vmem_shared>> -> memref<100000xf32, #tpu.memory_space<vmem_shared>>
    tpu.enqueue_indirect_dma source(%dma_start3A_185 : memref<100000xf32, #tpu.memory_space<vmem_shared>>) target(%dma_start3A_181 : memref<128xf32, #tpu.memory_space<vmem>>) offsets(%dma_start3A_183 : memref<128xi32, #tpu.memory_space<vmem>>) semaphore(%arg13 : memref<!tpu.dma_semaphore, #tpu.memory_space<semaphore_mem>>)
    %dma_start3A_186 = arith.constant 3712 : i32
    %dma_start3A_187 = tpu.memref_slice %arg7[%dma_start3A_186] : memref<6400xf32, #tpu.memory_space<vmem>> -> memref<128xf32, #tpu.memory_space<vmem>>
    %dma_start3A_188 = arith.constant 3712 : i32
    %dma_start3A_189 = tpu.memref_slice %arg6[%dma_start3A_188] : memref<6400xi32, #tpu.memory_space<vmem>> -> memref<128xi32, #tpu.memory_space<vmem>>
    %dma_start3A_190 = arith.constant 0 : i32
    %dma_start3A_191 = tpu.memref_slice %arg12[%dma_start3A_190] : memref<100000xf32, #tpu.memory_space<vmem_shared>> -> memref<100000xf32, #tpu.memory_space<vmem_shared>>
    tpu.enqueue_indirect_dma source(%dma_start3A_191 : memref<100000xf32, #tpu.memory_space<vmem_shared>>) target(%dma_start3A_187 : memref<128xf32, #tpu.memory_space<vmem>>) offsets(%dma_start3A_189 : memref<128xi32, #tpu.memory_space<vmem>>) semaphore(%arg13 : memref<!tpu.dma_semaphore, #tpu.memory_space<semaphore_mem>>)
    %dma_start3A_192 = arith.constant 3840 : i32
    %dma_start3A_193 = tpu.memref_slice %arg7[%dma_start3A_192] : memref<6400xf32, #tpu.memory_space<vmem>> -> memref<128xf32, #tpu.memory_space<vmem>>
    %dma_start3A_194 = arith.constant 3840 : i32
    %dma_start3A_195 = tpu.memref_slice %arg6[%dma_start3A_194] : memref<6400xi32, #tpu.memory_space<vmem>> -> memref<128xi32, #tpu.memory_space<vmem>>
    %dma_start3A_196 = arith.constant 0 : i32
    %dma_start3A_197 = tpu.memref_slice %arg12[%dma_start3A_196] : memref<100000xf32, #tpu.memory_space<vmem_shared>> -> memref<100000xf32, #tpu.memory_space<vmem_shared>>
    tpu.enqueue_indirect_dma source(%dma_start3A_197 : memref<100000xf32, #tpu.memory_space<vmem_shared>>) target(%dma_start3A_193 : memref<128xf32, #tpu.memory_space<vmem>>) offsets(%dma_start3A_195 : memref<128xi32, #tpu.memory_space<vmem>>) semaphore(%arg13 : memref<!tpu.dma_semaphore, #tpu.memory_space<semaphore_mem>>)
    %dma_start3A_198 = arith.constant 3968 : i32
    %dma_start3A_199 = tpu.memref_slice %arg7[%dma_start3A_198] : memref<6400xf32, #tpu.memory_space<vmem>> -> memref<128xf32, #tpu.memory_space<vmem>>
    %dma_start3A_200 = arith.constant 3968 : i32
    %dma_start3A_201 = tpu.memref_slice %arg6[%dma_start3A_200] : memref<6400xi32, #tpu.memory_space<vmem>> -> memref<128xi32, #tpu.memory_space<vmem>>
    %dma_start3A_202 = arith.constant 0 : i32
    %dma_start3A_203 = tpu.memref_slice %arg12[%dma_start3A_202] : memref<100000xf32, #tpu.memory_space<vmem_shared>> -> memref<100000xf32, #tpu.memory_space<vmem_shared>>
    tpu.enqueue_indirect_dma source(%dma_start3A_203 : memref<100000xf32, #tpu.memory_space<vmem_shared>>) target(%dma_start3A_199 : memref<128xf32, #tpu.memory_space<vmem>>) offsets(%dma_start3A_201 : memref<128xi32, #tpu.memory_space<vmem>>) semaphore(%arg13 : memref<!tpu.dma_semaphore, #tpu.memory_space<semaphore_mem>>)
    %dma_start3A_204 = arith.constant 4096 : i32
    %dma_start3A_205 = tpu.memref_slice %arg7[%dma_start3A_204] : memref<6400xf32, #tpu.memory_space<vmem>> -> memref<128xf32, #tpu.memory_space<vmem>>
    %dma_start3A_206 = arith.constant 4096 : i32
    %dma_start3A_207 = tpu.memref_slice %arg6[%dma_start3A_206] : memref<6400xi32, #tpu.memory_space<vmem>> -> memref<128xi32, #tpu.memory_space<vmem>>
    %dma_start3A_208 = arith.constant 0 : i32
    %dma_start3A_209 = tpu.memref_slice %arg12[%dma_start3A_208] : memref<100000xf32, #tpu.memory_space<vmem_shared>> -> memref<100000xf32, #tpu.memory_space<vmem_shared>>
    tpu.enqueue_indirect_dma source(%dma_start3A_209 : memref<100000xf32, #tpu.memory_space<vmem_shared>>) target(%dma_start3A_205 : memref<128xf32, #tpu.memory_space<vmem>>) offsets(%dma_start3A_207 : memref<128xi32, #tpu.memory_space<vmem>>) semaphore(%arg13 : memref<!tpu.dma_semaphore, #tpu.memory_space<semaphore_mem>>)
    %dma_start3A_210 = arith.constant 4224 : i32
    %dma_start3A_211 = tpu.memref_slice %arg7[%dma_start3A_210] : memref<6400xf32, #tpu.memory_space<vmem>> -> memref<128xf32, #tpu.memory_space<vmem>>
    %dma_start3A_212 = arith.constant 4224 : i32
    %dma_start3A_213 = tpu.memref_slice %arg6[%dma_start3A_212] : memref<6400xi32, #tpu.memory_space<vmem>> -> memref<128xi32, #tpu.memory_space<vmem>>
    %dma_start3A_214 = arith.constant 0 : i32
    %dma_start3A_215 = tpu.memref_slice %arg12[%dma_start3A_214] : memref<100000xf32, #tpu.memory_space<vmem_shared>> -> memref<100000xf32, #tpu.memory_space<vmem_shared>>
    tpu.enqueue_indirect_dma source(%dma_start3A_215 : memref<100000xf32, #tpu.memory_space<vmem_shared>>) target(%dma_start3A_211 : memref<128xf32, #tpu.memory_space<vmem>>) offsets(%dma_start3A_213 : memref<128xi32, #tpu.memory_space<vmem>>) semaphore(%arg13 : memref<!tpu.dma_semaphore, #tpu.memory_space<semaphore_mem>>)
    %dma_start3A_216 = arith.constant 4352 : i32
    %dma_start3A_217 = tpu.memref_slice %arg7[%dma_start3A_216] : memref<6400xf32, #tpu.memory_space<vmem>> -> memref<128xf32, #tpu.memory_space<vmem>>
    %dma_start3A_218 = arith.constant 4352 : i32
    %dma_start3A_219 = tpu.memref_slice %arg6[%dma_start3A_218] : memref<6400xi32, #tpu.memory_space<vmem>> -> memref<128xi32, #tpu.memory_space<vmem>>
    %dma_start3A_220 = arith.constant 0 : i32
    %dma_start3A_221 = tpu.memref_slice %arg12[%dma_start3A_220] : memref<100000xf32, #tpu.memory_space<vmem_shared>> -> memref<100000xf32, #tpu.memory_space<vmem_shared>>
    tpu.enqueue_indirect_dma source(%dma_start3A_221 : memref<100000xf32, #tpu.memory_space<vmem_shared>>) target(%dma_start3A_217 : memref<128xf32, #tpu.memory_space<vmem>>) offsets(%dma_start3A_219 : memref<128xi32, #tpu.memory_space<vmem>>) semaphore(%arg13 : memref<!tpu.dma_semaphore, #tpu.memory_space<semaphore_mem>>)
    %dma_start3A_222 = arith.constant 4480 : i32
    %dma_start3A_223 = tpu.memref_slice %arg7[%dma_start3A_222] : memref<6400xf32, #tpu.memory_space<vmem>> -> memref<128xf32, #tpu.memory_space<vmem>>
    %dma_start3A_224 = arith.constant 4480 : i32
    %dma_start3A_225 = tpu.memref_slice %arg6[%dma_start3A_224] : memref<6400xi32, #tpu.memory_space<vmem>> -> memref<128xi32, #tpu.memory_space<vmem>>
    %dma_start3A_226 = arith.constant 0 : i32
    %dma_start3A_227 = tpu.memref_slice %arg12[%dma_start3A_226] : memref<100000xf32, #tpu.memory_space<vmem_shared>> -> memref<100000xf32, #tpu.memory_space<vmem_shared>>
    tpu.enqueue_indirect_dma source(%dma_start3A_227 : memref<100000xf32, #tpu.memory_space<vmem_shared>>) target(%dma_start3A_223 : memref<128xf32, #tpu.memory_space<vmem>>) offsets(%dma_start3A_225 : memref<128xi32, #tpu.memory_space<vmem>>) semaphore(%arg13 : memref<!tpu.dma_semaphore, #tpu.memory_space<semaphore_mem>>)
    %dma_start3A_228 = arith.constant 4608 : i32
    %dma_start3A_229 = tpu.memref_slice %arg7[%dma_start3A_228] : memref<6400xf32, #tpu.memory_space<vmem>> -> memref<128xf32, #tpu.memory_space<vmem>>
    %dma_start3A_230 = arith.constant 4608 : i32
    %dma_start3A_231 = tpu.memref_slice %arg6[%dma_start3A_230] : memref<6400xi32, #tpu.memory_space<vmem>> -> memref<128xi32, #tpu.memory_space<vmem>>
    %dma_start3A_232 = arith.constant 0 : i32
    %dma_start3A_233 = tpu.memref_slice %arg12[%dma_start3A_232] : memref<100000xf32, #tpu.memory_space<vmem_shared>> -> memref<100000xf32, #tpu.memory_space<vmem_shared>>
    tpu.enqueue_indirect_dma source(%dma_start3A_233 : memref<100000xf32, #tpu.memory_space<vmem_shared>>) target(%dma_start3A_229 : memref<128xf32, #tpu.memory_space<vmem>>) offsets(%dma_start3A_231 : memref<128xi32, #tpu.memory_space<vmem>>) semaphore(%arg13 : memref<!tpu.dma_semaphore, #tpu.memory_space<semaphore_mem>>)
    %dma_start3A_234 = arith.constant 4736 : i32
    %dma_start3A_235 = tpu.memref_slice %arg7[%dma_start3A_234] : memref<6400xf32, #tpu.memory_space<vmem>> -> memref<128xf32, #tpu.memory_space<vmem>>
    %dma_start3A_236 = arith.constant 4736 : i32
    %dma_start3A_237 = tpu.memref_slice %arg6[%dma_start3A_236] : memref<6400xi32, #tpu.memory_space<vmem>> -> memref<128xi32, #tpu.memory_space<vmem>>
    %dma_start3A_238 = arith.constant 0 : i32
    %dma_start3A_239 = tpu.memref_slice %arg12[%dma_start3A_238] : memref<100000xf32, #tpu.memory_space<vmem_shared>> -> memref<100000xf32, #tpu.memory_space<vmem_shared>>
    tpu.enqueue_indirect_dma source(%dma_start3A_239 : memref<100000xf32, #tpu.memory_space<vmem_shared>>) target(%dma_start3A_235 : memref<128xf32, #tpu.memory_space<vmem>>) offsets(%dma_start3A_237 : memref<128xi32, #tpu.memory_space<vmem>>) semaphore(%arg13 : memref<!tpu.dma_semaphore, #tpu.memory_space<semaphore_mem>>)
    %dma_start3A_240 = arith.constant 4864 : i32
    %dma_start3A_241 = tpu.memref_slice %arg7[%dma_start3A_240] : memref<6400xf32, #tpu.memory_space<vmem>> -> memref<128xf32, #tpu.memory_space<vmem>>
    %dma_start3A_242 = arith.constant 4864 : i32
    %dma_start3A_243 = tpu.memref_slice %arg6[%dma_start3A_242] : memref<6400xi32, #tpu.memory_space<vmem>> -> memref<128xi32, #tpu.memory_space<vmem>>
    %dma_start3A_244 = arith.constant 0 : i32
    %dma_start3A_245 = tpu.memref_slice %arg12[%dma_start3A_244] : memref<100000xf32, #tpu.memory_space<vmem_shared>> -> memref<100000xf32, #tpu.memory_space<vmem_shared>>
    tpu.enqueue_indirect_dma source(%dma_start3A_245 : memref<100000xf32, #tpu.memory_space<vmem_shared>>) target(%dma_start3A_241 : memref<128xf32, #tpu.memory_space<vmem>>) offsets(%dma_start3A_243 : memref<128xi32, #tpu.memory_space<vmem>>) semaphore(%arg13 : memref<!tpu.dma_semaphore, #tpu.memory_space<semaphore_mem>>)
    %dma_start3A_246 = arith.constant 4992 : i32
    %dma_start3A_247 = tpu.memref_slice %arg7[%dma_start3A_246] : memref<6400xf32, #tpu.memory_space<vmem>> -> memref<128xf32, #tpu.memory_space<vmem>>
    %dma_start3A_248 = arith.constant 4992 : i32
    %dma_start3A_249 = tpu.memref_slice %arg6[%dma_start3A_248] : memref<6400xi32, #tpu.memory_space<vmem>> -> memref<128xi32, #tpu.memory_space<vmem>>
    %dma_start3A_250 = arith.constant 0 : i32
    %dma_start3A_251 = tpu.memref_slice %arg12[%dma_start3A_250] : memref<100000xf32, #tpu.memory_space<vmem_shared>> -> memref<100000xf32, #tpu.memory_space<vmem_shared>>
    tpu.enqueue_indirect_dma source(%dma_start3A_251 : memref<100000xf32, #tpu.memory_space<vmem_shared>>) target(%dma_start3A_247 : memref<128xf32, #tpu.memory_space<vmem>>) offsets(%dma_start3A_249 : memref<128xi32, #tpu.memory_space<vmem>>) semaphore(%arg13 : memref<!tpu.dma_semaphore, #tpu.memory_space<semaphore_mem>>)
    %dma_start3A_252 = arith.constant 5120 : i32
    %dma_start3A_253 = tpu.memref_slice %arg7[%dma_start3A_252] : memref<6400xf32, #tpu.memory_space<vmem>> -> memref<128xf32, #tpu.memory_space<vmem>>
    %dma_start3A_254 = arith.constant 5120 : i32
    %dma_start3A_255 = tpu.memref_slice %arg6[%dma_start3A_254] : memref<6400xi32, #tpu.memory_space<vmem>> -> memref<128xi32, #tpu.memory_space<vmem>>
    %dma_start3A_256 = arith.constant 0 : i32
    %dma_start3A_257 = tpu.memref_slice %arg12[%dma_start3A_256] : memref<100000xf32, #tpu.memory_space<vmem_shared>> -> memref<100000xf32, #tpu.memory_space<vmem_shared>>
    tpu.enqueue_indirect_dma source(%dma_start3A_257 : memref<100000xf32, #tpu.memory_space<vmem_shared>>) target(%dma_start3A_253 : memref<128xf32, #tpu.memory_space<vmem>>) offsets(%dma_start3A_255 : memref<128xi32, #tpu.memory_space<vmem>>) semaphore(%arg13 : memref<!tpu.dma_semaphore, #tpu.memory_space<semaphore_mem>>)
    %dma_start3A_258 = arith.constant 5248 : i32
    %dma_start3A_259 = tpu.memref_slice %arg7[%dma_start3A_258] : memref<6400xf32, #tpu.memory_space<vmem>> -> memref<128xf32, #tpu.memory_space<vmem>>
    %dma_start3A_260 = arith.constant 5248 : i32
    %dma_start3A_261 = tpu.memref_slice %arg6[%dma_start3A_260] : memref<6400xi32, #tpu.memory_space<vmem>> -> memref<128xi32, #tpu.memory_space<vmem>>
    %dma_start3A_262 = arith.constant 0 : i32
    %dma_start3A_263 = tpu.memref_slice %arg12[%dma_start3A_262] : memref<100000xf32, #tpu.memory_space<vmem_shared>> -> memref<100000xf32, #tpu.memory_space<vmem_shared>>
    tpu.enqueue_indirect_dma source(%dma_start3A_263 : memref<100000xf32, #tpu.memory_space<vmem_shared>>) target(%dma_start3A_259 : memref<128xf32, #tpu.memory_space<vmem>>) offsets(%dma_start3A_261 : memref<128xi32, #tpu.memory_space<vmem>>) semaphore(%arg13 : memref<!tpu.dma_semaphore, #tpu.memory_space<semaphore_mem>>)
    %dma_start3A_264 = arith.constant 5376 : i32
    %dma_start3A_265 = tpu.memref_slice %arg7[%dma_start3A_264] : memref<6400xf32, #tpu.memory_space<vmem>> -> memref<128xf32, #tpu.memory_space<vmem>>
    %dma_start3A_266 = arith.constant 5376 : i32
    %dma_start3A_267 = tpu.memref_slice %arg6[%dma_start3A_266] : memref<6400xi32, #tpu.memory_space<vmem>> -> memref<128xi32, #tpu.memory_space<vmem>>
    %dma_start3A_268 = arith.constant 0 : i32
    %dma_start3A_269 = tpu.memref_slice %arg12[%dma_start3A_268] : memref<100000xf32, #tpu.memory_space<vmem_shared>> -> memref<100000xf32, #tpu.memory_space<vmem_shared>>
    tpu.enqueue_indirect_dma source(%dma_start3A_269 : memref<100000xf32, #tpu.memory_space<vmem_shared>>) target(%dma_start3A_265 : memref<128xf32, #tpu.memory_space<vmem>>) offsets(%dma_start3A_267 : memref<128xi32, #tpu.memory_space<vmem>>) semaphore(%arg13 : memref<!tpu.dma_semaphore, #tpu.memory_space<semaphore_mem>>)
    %dma_start3A_270 = arith.constant 5504 : i32
    %dma_start3A_271 = tpu.memref_slice %arg7[%dma_start3A_270] : memref<6400xf32, #tpu.memory_space<vmem>> -> memref<128xf32, #tpu.memory_space<vmem>>
    %dma_start3A_272 = arith.constant 5504 : i32
    %dma_start3A_273 = tpu.memref_slice %arg6[%dma_start3A_272] : memref<6400xi32, #tpu.memory_space<vmem>> -> memref<128xi32, #tpu.memory_space<vmem>>
    %dma_start3A_274 = arith.constant 0 : i32
    %dma_start3A_275 = tpu.memref_slice %arg12[%dma_start3A_274] : memref<100000xf32, #tpu.memory_space<vmem_shared>> -> memref<100000xf32, #tpu.memory_space<vmem_shared>>
    tpu.enqueue_indirect_dma source(%dma_start3A_275 : memref<100000xf32, #tpu.memory_space<vmem_shared>>) target(%dma_start3A_271 : memref<128xf32, #tpu.memory_space<vmem>>) offsets(%dma_start3A_273 : memref<128xi32, #tpu.memory_space<vmem>>) semaphore(%arg13 : memref<!tpu.dma_semaphore, #tpu.memory_space<semaphore_mem>>)
    %dma_start3A_276 = arith.constant 5632 : i32
    %dma_start3A_277 = tpu.memref_slice %arg7[%dma_start3A_276] : memref<6400xf32, #tpu.memory_space<vmem>> -> memref<128xf32, #tpu.memory_space<vmem>>
    %dma_start3A_278 = arith.constant 5632 : i32
    %dma_start3A_279 = tpu.memref_slice %arg6[%dma_start3A_278] : memref<6400xi32, #tpu.memory_space<vmem>> -> memref<128xi32, #tpu.memory_space<vmem>>
    %dma_start3A_280 = arith.constant 0 : i32
    %dma_start3A_281 = tpu.memref_slice %arg12[%dma_start3A_280] : memref<100000xf32, #tpu.memory_space<vmem_shared>> -> memref<100000xf32, #tpu.memory_space<vmem_shared>>
    tpu.enqueue_indirect_dma source(%dma_start3A_281 : memref<100000xf32, #tpu.memory_space<vmem_shared>>) target(%dma_start3A_277 : memref<128xf32, #tpu.memory_space<vmem>>) offsets(%dma_start3A_279 : memref<128xi32, #tpu.memory_space<vmem>>) semaphore(%arg13 : memref<!tpu.dma_semaphore, #tpu.memory_space<semaphore_mem>>)
    %dma_start3A_282 = arith.constant 5760 : i32
    %dma_start3A_283 = tpu.memref_slice %arg7[%dma_start3A_282] : memref<6400xf32, #tpu.memory_space<vmem>> -> memref<128xf32, #tpu.memory_space<vmem>>
    %dma_start3A_284 = arith.constant 5760 : i32
    %dma_start3A_285 = tpu.memref_slice %arg6[%dma_start3A_284] : memref<6400xi32, #tpu.memory_space<vmem>> -> memref<128xi32, #tpu.memory_space<vmem>>
    %dma_start3A_286 = arith.constant 0 : i32
    %dma_start3A_287 = tpu.memref_slice %arg12[%dma_start3A_286] : memref<100000xf32, #tpu.memory_space<vmem_shared>> -> memref<100000xf32, #tpu.memory_space<vmem_shared>>
    tpu.enqueue_indirect_dma source(%dma_start3A_287 : memref<100000xf32, #tpu.memory_space<vmem_shared>>) target(%dma_start3A_283 : memref<128xf32, #tpu.memory_space<vmem>>) offsets(%dma_start3A_285 : memref<128xi32, #tpu.memory_space<vmem>>) semaphore(%arg13 : memref<!tpu.dma_semaphore, #tpu.memory_space<semaphore_mem>>)
    %dma_start3A_288 = arith.constant 5888 : i32
    %dma_start3A_289 = tpu.memref_slice %arg7[%dma_start3A_288] : memref<6400xf32, #tpu.memory_space<vmem>> -> memref<128xf32, #tpu.memory_space<vmem>>
    %dma_start3A_290 = arith.constant 5888 : i32
    %dma_start3A_291 = tpu.memref_slice %arg6[%dma_start3A_290] : memref<6400xi32, #tpu.memory_space<vmem>> -> memref<128xi32, #tpu.memory_space<vmem>>
    %dma_start3A_292 = arith.constant 0 : i32
    %dma_start3A_293 = tpu.memref_slice %arg12[%dma_start3A_292] : memref<100000xf32, #tpu.memory_space<vmem_shared>> -> memref<100000xf32, #tpu.memory_space<vmem_shared>>
    tpu.enqueue_indirect_dma source(%dma_start3A_293 : memref<100000xf32, #tpu.memory_space<vmem_shared>>) target(%dma_start3A_289 : memref<128xf32, #tpu.memory_space<vmem>>) offsets(%dma_start3A_291 : memref<128xi32, #tpu.memory_space<vmem>>) semaphore(%arg13 : memref<!tpu.dma_semaphore, #tpu.memory_space<semaphore_mem>>)
    %dma_start3A_294 = arith.constant 6016 : i32
    %dma_start3A_295 = tpu.memref_slice %arg7[%dma_start3A_294] : memref<6400xf32, #tpu.memory_space<vmem>> -> memref<128xf32, #tpu.memory_space<vmem>>
    %dma_start3A_296 = arith.constant 6016 : i32
    %dma_start3A_297 = tpu.memref_slice %arg6[%dma_start3A_296] : memref<6400xi32, #tpu.memory_space<vmem>> -> memref<128xi32, #tpu.memory_space<vmem>>
    %dma_start3A_298 = arith.constant 0 : i32
    %dma_start3A_299 = tpu.memref_slice %arg12[%dma_start3A_298] : memref<100000xf32, #tpu.memory_space<vmem_shared>> -> memref<100000xf32, #tpu.memory_space<vmem_shared>>
    tpu.enqueue_indirect_dma source(%dma_start3A_299 : memref<100000xf32, #tpu.memory_space<vmem_shared>>) target(%dma_start3A_295 : memref<128xf32, #tpu.memory_space<vmem>>) offsets(%dma_start3A_297 : memref<128xi32, #tpu.memory_space<vmem>>) semaphore(%arg13 : memref<!tpu.dma_semaphore, #tpu.memory_space<semaphore_mem>>)
    %dma_start3A_300 = arith.constant 6144 : i32
    %dma_start3A_301 = tpu.memref_slice %arg7[%dma_start3A_300] : memref<6400xf32, #tpu.memory_space<vmem>> -> memref<128xf32, #tpu.memory_space<vmem>>
    %dma_start3A_302 = arith.constant 6144 : i32
    %dma_start3A_303 = tpu.memref_slice %arg6[%dma_start3A_302] : memref<6400xi32, #tpu.memory_space<vmem>> -> memref<128xi32, #tpu.memory_space<vmem>>
    %dma_start3A_304 = arith.constant 0 : i32
    %dma_start3A_305 = tpu.memref_slice %arg12[%dma_start3A_304] : memref<100000xf32, #tpu.memory_space<vmem_shared>> -> memref<100000xf32, #tpu.memory_space<vmem_shared>>
    tpu.enqueue_indirect_dma source(%dma_start3A_305 : memref<100000xf32, #tpu.memory_space<vmem_shared>>) target(%dma_start3A_301 : memref<128xf32, #tpu.memory_space<vmem>>) offsets(%dma_start3A_303 : memref<128xi32, #tpu.memory_space<vmem>>) semaphore(%arg13 : memref<!tpu.dma_semaphore, #tpu.memory_space<semaphore_mem>>)
    %dma_start3A_306 = arith.constant 6272 : i32
    %dma_start3A_307 = tpu.memref_slice %arg7[%dma_start3A_306] : memref<6400xf32, #tpu.memory_space<vmem>> -> memref<128xf32, #tpu.memory_space<vmem>>
    %dma_start3A_308 = arith.constant 6272 : i32
    %dma_start3A_309 = tpu.memref_slice %arg6[%dma_start3A_308] : memref<6400xi32, #tpu.memory_space<vmem>> -> memref<128xi32, #tpu.memory_space<vmem>>
    %dma_start3A_310 = arith.constant 0 : i32
    %dma_start3A_311 = tpu.memref_slice %arg12[%dma_start3A_310] : memref<100000xf32, #tpu.memory_space<vmem_shared>> -> memref<100000xf32, #tpu.memory_space<vmem_shared>>
    tpu.enqueue_indirect_dma source(%dma_start3A_311 : memref<100000xf32, #tpu.memory_space<vmem_shared>>) target(%dma_start3A_307 : memref<128xf32, #tpu.memory_space<vmem>>) offsets(%dma_start3A_309 : memref<128xi32, #tpu.memory_space<vmem>>) semaphore(%arg13 : memref<!tpu.dma_semaphore, #tpu.memory_space<semaphore_mem>>)
    %scan3A = arith.constant 0 : i32
    %scan3A_312 = arith.constant 0 : i32
    %scan3A_313 = arith.constant 32 : i32
    %scan3A_314 = arith.addi %scan3A_312, %scan3A_313 : i32
    %scan3A_315 = arith.constant 1 : i32
    %scan3A_316 = scf.for %scan3A_319 = %scan3A_312 to %scan3A_314 step %scan3A_315 iter_args(%scan3A_320 = %scan3A) -> (i32)  : i32 {
      %mul3A_321 = arith.constant 200 : i32
      %mul3A_322 = arith.muli %scan3A_319, %mul3A_321 : i32
      %multiple_of3A_323 = tpu.assume_multiple %mul3A_322, 8 : i32
      %dma_wait3A_324 = tpu.memref_slice %arg7[%multiple_of3A_323] : memref<6400xf32, #tpu.memory_space<vmem>> -> memref<200xf32, #tpu.memory_space<vmem>>
      %dma_wait3A_325 = arith.constant 0 : i32
      %dma_wait3A_326 = tpu.memref_slice %arg5[%dma_wait3A_325] : memref<1024xf32, #tpu.memory_space<hbm>> -> memref<200xf32, #tpu.memory_space<hbm>>
      %dma_wait3A_327 = tpu.memref_slice %arg7[%multiple_of3A_323] : memref<6400xf32, #tpu.memory_space<vmem>> -> memref<200xf32, #tpu.memory_space<vmem>>
      %dma_wait3A_328 = arith.constant 0 : i32
      %dma_wait3A_329 = tpu.memref_slice %arg5[%dma_wait3A_328] : memref<1024xf32, #tpu.memory_space<hbm>> -> memref<200xf32, #tpu.memory_space<hbm>>
      tpu.wait_dma2 semaphore(%arg13 : memref<!tpu.dma_semaphore, #tpu.memory_space<semaphore_mem>>) src(%dma_wait3A_329 : memref<200xf32, #tpu.memory_space<hbm>>) dst(%dma_wait3A_327 : memref<200xf32, #tpu.memory_space<vmem>>)
      %add3A_330 = arith.constant 0 : i32
      %add3A_331 = arith.addi %multiple_of3A_323, %add3A_330 : i32
      %get3A = arith.index_cast %add3A_331 : i32 to index
      %get3A_332 = tpu.vector_load %arg6[%get3A] {strides = array<i32>} : memref<6400xi32, #tpu.memory_space<vmem>>, vector<16xi32>,
      %add3A_333 = arith.constant 0 : i32
      %add3A_334 = vector.broadcast %add3A_333 : i32 to vector<16xi32>
      %add3A_335 = arith.addi %iota3A, %add3A_334 : vector<16xi32>
      tpu.vector_store_idx %arg8[%get3A_332], %add3A_335 : memref<100000xi32, #tpu.memory_space<vmem>>[vector<16xi32>], vector<16xi32>,
      %add3A_336 = arith.constant 16 : i32
      %add3A_337 = arith.addi %multiple_of3A_323, %add3A_336 : i32
      %get3A_338 = arith.index_cast %add3A_337 : i32 to index
      %get3A_339 = tpu.vector_load %arg6[%get3A_338] {strides = array<i32>} : memref<6400xi32, #tpu.memory_space<vmem>>, vector<16xi32>,
      %add3A_340 = arith.constant 16 : i32
      %add3A_341 = vector.broadcast %add3A_340 : i32 to vector<16xi32>
      %add3A_342 = arith.addi %iota3A, %add3A_341 : vector<16xi32>
      tpu.vector_store_idx %arg8[%get3A_339], %add3A_342 : memref<100000xi32, #tpu.memory_space<vmem>>[vector<16xi32>], vector<16xi32>,
      %add3A_343 = arith.constant 32 : i32
      %add3A_344 = arith.addi %multiple_of3A_323, %add3A_343 : i32
      %get3A_345 = arith.index_cast %add3A_344 : i32 to index
      %get3A_346 = tpu.vector_load %arg6[%get3A_345] {strides = array<i32>} : memref<6400xi32, #tpu.memory_space<vmem>>, vector<16xi32>,
      %add3A_347 = arith.constant 32 : i32
      %add3A_348 = vector.broadcast %add3A_347 : i32 to vector<16xi32>
      %add3A_349 = arith.addi %iota3A, %add3A_348 : vector<16xi32>
      tpu.vector_store_idx %arg8[%get3A_346], %add3A_349 : memref<100000xi32, #tpu.memory_space<vmem>>[vector<16xi32>], vector<16xi32>,
      %add3A_350 = arith.constant 48 : i32
      %add3A_351 = arith.addi %multiple_of3A_323, %add3A_350 : i32
      %get3A_352 = arith.index_cast %add3A_351 : i32 to index
      %get3A_353 = tpu.vector_load %arg6[%get3A_352] {strides = array<i32>} : memref<6400xi32, #tpu.memory_space<vmem>>, vector<16xi32>,
      %add3A_354 = arith.constant 48 : i32
      %add3A_355 = vector.broadcast %add3A_354 : i32 to vector<16xi32>
      %add3A_356 = arith.addi %iota3A, %add3A_355 : vector<16xi32>
      tpu.vector_store_idx %arg8[%get3A_353], %add3A_356 : memref<100000xi32, #tpu.memory_space<vmem>>[vector<16xi32>], vector<16xi32>,
      %add3A_357 = arith.constant 64 : i32
      %add3A_358 = arith.addi %multiple_of3A_323, %add3A_357 : i32
      %get3A_359 = arith.index_cast %add3A_358 : i32 to index
      %get3A_360 = tpu.vector_load %arg6[%get3A_359] {strides = array<i32>} : memref<6400xi32, #tpu.memory_space<vmem>>, vector<16xi32>,
      %add3A_361 = arith.constant 64 : i32
      %add3A_362 = vector.broadcast %add3A_361 : i32 to vector<16xi32>
      %add3A_363 = arith.addi %iota3A, %add3A_362 : vector<16xi32>
      tpu.vector_store_idx %arg8[%get3A_360], %add3A_363 : memref<100000xi32, #tpu.memory_space<vmem>>[vector<16xi32>], vector<16xi32>,
      %add3A_364 = arith.constant 80 : i32
      %add3A_365 = arith.addi %multiple_of3A_323, %add3A_364 : i32
      %get3A_366 = arith.index_cast %add3A_365 : i32 to index
      %get3A_367 = tpu.vector_load %arg6[%get3A_366] {strides = array<i32>} : memref<6400xi32, #tpu.memory_space<vmem>>, vector<16xi32>,
      %add3A_368 = arith.constant 80 : i32
      %add3A_369 = vector.broadcast %add3A_368 : i32 to vector<16xi32>
      %add3A_370 = arith.addi %iota3A, %add3A_369 : vector<16xi32>
      tpu.vector_store_idx %arg8[%get3A_367], %add3A_370 : memref<100000xi32, #tpu.memory_space<vmem>>[vector<16xi32>], vector<16xi32>,
      %add3A_371 = arith.constant 96 : i32
      %add3A_372 = arith.addi %multiple_of3A_323, %add3A_371 : i32
      %get3A_373 = arith.index_cast %add3A_372 : i32 to index
      %get3A_374 = tpu.vector_load %arg6[%get3A_373] {strides = array<i32>} : memref<6400xi32, #tpu.memory_space<vmem>>, vector<16xi32>,
      %add3A_375 = arith.constant 96 : i32
      %add3A_376 = vector.broadcast %add3A_375 : i32 to vector<16xi32>
      %add3A_377 = arith.addi %iota3A, %add3A_376 : vector<16xi32>
      tpu.vector_store_idx %arg8[%get3A_374], %add3A_377 : memref<100000xi32, #tpu.memory_space<vmem>>[vector<16xi32>], vector<16xi32>,
      %add3A_378 = arith.constant 112 : i32
      %add3A_379 = arith.addi %multiple_of3A_323, %add3A_378 : i32
      %get3A_380 = arith.index_cast %add3A_379 : i32 to index
      %get3A_381 = tpu.vector_load %arg6[%get3A_380] {strides = array<i32>} : memref<6400xi32, #tpu.memory_space<vmem>>, vector<16xi32>,
      %add3A_382 = arith.constant 112 : i32
      %add3A_383 = vector.broadcast %add3A_382 : i32 to vector<16xi32>
      %add3A_384 = arith.addi %iota3A, %add3A_383 : vector<16xi32>
      tpu.vector_store_idx %arg8[%get3A_381], %add3A_384 : memref<100000xi32, #tpu.memory_space<vmem>>[vector<16xi32>], vector<16xi32>,
      %add3A_385 = arith.constant 128 : i32
      %add3A_386 = arith.addi %multiple_of3A_323, %add3A_385 : i32
      %get3A_387 = arith.index_cast %add3A_386 : i32 to index
      %get3A_388 = tpu.vector_load %arg6[%get3A_387] {strides = array<i32>} : memref<6400xi32, #tpu.memory_space<vmem>>, vector<16xi32>,
      %add3A_389 = arith.constant 128 : i32
      %add3A_390 = vector.broadcast %add3A_389 : i32 to vector<16xi32>
      %add3A_391 = arith.addi %iota3A, %add3A_390 : vector<16xi32>
      tpu.vector_store_idx %arg8[%get3A_388], %add3A_391 : memref<100000xi32, #tpu.memory_space<vmem>>[vector<16xi32>], vector<16xi32>,
      %add3A_392 = arith.constant 144 : i32
      %add3A_393 = arith.addi %multiple_of3A_323, %add3A_392 : i32
      %get3A_394 = arith.index_cast %add3A_393 : i32 to index
      %get3A_395 = tpu.vector_load %arg6[%get3A_394] {strides = array<i32>} : memref<6400xi32, #tpu.memory_space<vmem>>, vector<16xi32>,
      %add3A_396 = arith.constant 144 : i32
      %add3A_397 = vector.broadcast %add3A_396 : i32 to vector<16xi32>
      %add3A_398 = arith.addi %iota3A, %add3A_397 : vector<16xi32>
      tpu.vector_store_idx %arg8[%get3A_395], %add3A_398 : memref<100000xi32, #tpu.memory_space<vmem>>[vector<16xi32>], vector<16xi32>,
      %add3A_399 = arith.constant 160 : i32
      %add3A_400 = arith.addi %multiple_of3A_323, %add3A_399 : i32
      %get3A_401 = arith.index_cast %add3A_400 : i32 to index
      %get3A_402 = tpu.vector_load %arg6[%get3A_401] {strides = array<i32>} : memref<6400xi32, #tpu.memory_space<vmem>>, vector<16xi32>,
      %add3A_403 = arith.constant 160 : i32
      %add3A_404 = vector.broadcast %add3A_403 : i32 to vector<16xi32>
      %add3A_405 = arith.addi %iota3A, %add3A_404 : vector<16xi32>
      tpu.vector_store_idx %arg8[%get3A_402], %add3A_405 : memref<100000xi32, #tpu.memory_space<vmem>>[vector<16xi32>], vector<16xi32>,
      %add3A_406 = arith.constant 176 : i32
      %add3A_407 = arith.addi %multiple_of3A_323, %add3A_406 : i32
      %get3A_408 = arith.index_cast %add3A_407 : i32 to index
      %get3A_409 = tpu.vector_load %arg6[%get3A_408] {strides = array<i32>} : memref<6400xi32, #tpu.memory_space<vmem>>, vector<16xi32>,
      %add3A_410 = arith.constant 176 : i32
      %add3A_411 = vector.broadcast %add3A_410 : i32 to vector<16xi32>
      %add3A_412 = arith.addi %iota3A, %add3A_411 : vector<16xi32>
      tpu.vector_store_idx %arg8[%get3A_409], %add3A_412 : memref<100000xi32, #tpu.memory_space<vmem>>[vector<16xi32>], vector<16xi32>,
      %eq3A_413 = arith.constant 31 : i32
      %eq3A_414 = arith.cmpi eq, %scan3A_319, %eq3A_413 : i32
      %convert_element_type3A_415 = arith.extui %eq3A_414 : i1 to i32
      %mul3A_416 = arith.constant 8 : i32
      %mul3A_417 = arith.muli %mul3A_416, %convert_element_type3A_415 : i32
      %add3A_418 = arith.constant 192 : i32
      %add3A_419 = arith.addi %multiple_of3A_323, %add3A_418 : i32
      %sub3A = arith.subi %add3A_419, %mul3A_417 : i32
      %multiple_of3A_420 = tpu.assume_multiple %sub3A, 8 : i32
      %gt3A = arith.constant 0 : i32
      %gt3A_421 = arith.cmpi sgt, %convert_element_type3A_415, %gt3A : i32
      %xor3A = vector.broadcast %gt3A_421 : i1 to vector<16xi1>
      %xor3A_422 = arith.xori %lt3A_10, %xor3A : vector<16xi1>
      %sub3A_423 = arith.constant 192 : i32
      %sub3A_424 = arith.subi %sub3A_423, %mul3A_417 : i32
      %add3A_425 = vector.broadcast %sub3A_424 : i32 to vector<16xi32>
      %add3A_426 = arith.addi %iota3A, %add3A_425 : vector<16xi32>
      %get3A_427 = arith.index_cast %multiple_of3A_420 : i32 to index
      %get3A_428 = tpu.vector_load %arg6[%get3A_427] {strides = array<i32>} : memref<6400xi32, #tpu.memory_space<vmem>>, vector<16xi32>,
      %get3A_429 = arith.index_cast %multiple_of3A_420 : i32 to index
      %get3A_430 = tpu.vector_load %arg7[%get3A_429] {strides = array<i32>} : memref<6400xf32, #tpu.memory_space<vmem>>, vector<16xf32>,
      tpu.vector_store_idx %arg8[%get3A_428], %add3A_426 masked %xor3A_422 : memref<100000xi32, #tpu.memory_space<vmem>>[vector<16xi32>], vector<16xi32>, vector<16xi1>
      %broadcast_in_dim3A_431 = arith.constant 0.000000e+00 : f32
      %broadcast_in_dim3A_432 = vector.broadcast %broadcast_in_dim3A_431 : f32 to vector<16xf32>
      %add3A_433 = arith.constant 0 : i32
      %add3A_434 = arith.addi %multiple_of3A_323, %add3A_433 : i32
      %get3A_435 = arith.index_cast %add3A_434 : i32 to index
      %get3A_436 = tpu.vector_load %arg6[%get3A_435] {strides = array<i32>} : memref<6400xi32, #tpu.memory_space<vmem>>, vector<16xi32>,
      %gather3A_437 = tpu.vector_load_idx %arg8[%get3A_436] : memref<100000xi32, #tpu.memory_space<vmem>>[vector<16xi32>], vector<16xi32>,
      %add3A_438 = arith.constant 0 : i32
      %add3A_439 = vector.broadcast %add3A_438 : i32 to vector<16xi32>
      %add3A_440 = arith.addi %iota3A, %add3A_439 : vector<16xi32>
      %eq3A_441 = arith.cmpi eq, %gather3A_437, %add3A_440 : vector<16xi32>
      %add3A_442 = arith.constant 0 : i32
      %add3A_443 = arith.addi %multiple_of3A_323, %add3A_442 : i32
      %get3A_444 = arith.index_cast %add3A_443 : i32 to index
      %get3A_445 = tpu.vector_load %arg7[%get3A_444] {strides = array<i32>} : memref<6400xf32, #tpu.memory_space<vmem>>, vector<16xf32>,
      %jit3A = arith.constant 0.000000e+00 : f32
      %broadcast_in_dim3A_446 = vector.broadcast %jit3A : f32 to vector<16xf32>
      %select_n3A = arith.select %eq3A_441, %get3A_445, %broadcast_in_dim3A_446 : vector<16xi1>, vector<16xf32>
      %add3A_447 = arith.addf %broadcast_in_dim3A_432, %select_n3A : vector<16xf32>
      %add3A_448 = arith.constant 16 : i32
      %add3A_449 = arith.addi %multiple_of3A_323, %add3A_448 : i32
      %get3A_450 = arith.index_cast %add3A_449 : i32 to index
      %get3A_451 = tpu.vector_load %arg6[%get3A_450] {strides = array<i32>} : memref<6400xi32, #tpu.memory_space<vmem>>, vector<16xi32>,
      %gather3A_452 = tpu.vector_load_idx %arg8[%get3A_451] : memref<100000xi32, #tpu.memory_space<vmem>>[vector<16xi32>], vector<16xi32>,
      %add3A_453 = arith.constant 16 : i32
      %add3A_454 = vector.broadcast %add3A_453 : i32 to vector<16xi32>
      %add3A_455 = arith.addi %iota3A, %add3A_454 : vector<16xi32>
      %eq3A_456 = arith.cmpi eq, %gather3A_452, %add3A_455 : vector<16xi32>
      %add3A_457 = arith.constant 16 : i32
      %add3A_458 = arith.addi %multiple_of3A_323, %add3A_457 : i32
      %get3A_459 = arith.index_cast %add3A_458 : i32 to index
      %get3A_460 = tpu.vector_load %arg7[%get3A_459] {strides = array<i32>} : memref<6400xf32, #tpu.memory_space<vmem>>, vector<16xf32>,
      %jit3A_461 = arith.constant 0.000000e+00 : f32
      %broadcast_in_dim3A_462 = vector.broadcast %jit3A_461 : f32 to vector<16xf32>
      %select_n3A_463 = arith.select %eq3A_456, %get3A_460, %broadcast_in_dim3A_462 : vector<16xi1>, vector<16xf32>
      %add3A_464 = arith.addf %add3A_447, %select_n3A_463 : vector<16xf32>
      %add3A_465 = arith.constant 32 : i32
      %add3A_466 = arith.addi %multiple_of3A_323, %add3A_465 : i32
      %get3A_467 = arith.index_cast %add3A_466 : i32 to index
      %get3A_468 = tpu.vector_load %arg6[%get3A_467] {strides = array<i32>} : memref<6400xi32, #tpu.memory_space<vmem>>, vector<16xi32>,
      %gather3A_469 = tpu.vector_load_idx %arg8[%get3A_468] : memref<100000xi32, #tpu.memory_space<vmem>>[vector<16xi32>], vector<16xi32>,
      %add3A_470 = arith.constant 32 : i32
      %add3A_471 = vector.broadcast %add3A_470 : i32 to vector<16xi32>
      %add3A_472 = arith.addi %iota3A, %add3A_471 : vector<16xi32>
      %eq3A_473 = arith.cmpi eq, %gather3A_469, %add3A_472 : vector<16xi32>
      %add3A_474 = arith.constant 32 : i32
      %add3A_475 = arith.addi %multiple_of3A_323, %add3A_474 : i32
      %get3A_476 = arith.index_cast %add3A_475 : i32 to index
      %get3A_477 = tpu.vector_load %arg7[%get3A_476] {strides = array<i32>} : memref<6400xf32, #tpu.memory_space<vmem>>, vector<16xf32>,
      %jit3A_478 = arith.constant 0.000000e+00 : f32
      %broadcast_in_dim3A_479 = vector.broadcast %jit3A_478 : f32 to vector<16xf32>
      %select_n3A_480 = arith.select %eq3A_473, %get3A_477, %broadcast_in_dim3A_479 : vector<16xi1>, vector<16xf32>
      %add3A_481 = arith.addf %add3A_464, %select_n3A_480 : vector<16xf32>
      %add3A_482 = arith.constant 48 : i32
      %add3A_483 = arith.addi %multiple_of3A_323, %add3A_482 : i32
      %get3A_484 = arith.index_cast %add3A_483 : i32 to index
      %get3A_485 = tpu.vector_load %arg6[%get3A_484] {strides = array<i32>} : memref<6400xi32, #tpu.memory_space<vmem>>, vector<16xi32>,
      %gather3A_486 = tpu.vector_load_idx %arg8[%get3A_485] : memref<100000xi32, #tpu.memory_space<vmem>>[vector<16xi32>], vector<16xi32>,
      %add3A_487 = arith.constant 48 : i32
      %add3A_488 = vector.broadcast %add3A_487 : i32 to vector<16xi32>
      %add3A_489 = arith.addi %iota3A, %add3A_488 : vector<16xi32>
      %eq3A_490 = arith.cmpi eq, %gather3A_486, %add3A_489 : vector<16xi32>
      %add3A_491 = arith.constant 48 : i32
      %add3A_492 = arith.addi %multiple_of3A_323, %add3A_491 : i32
      %get3A_493 = arith.index_cast %add3A_492 : i32 to index
      %get3A_494 = tpu.vector_load %arg7[%get3A_493] {strides = array<i32>} : memref<6400xf32, #tpu.memory_space<vmem>>, vector<16xf32>,
      %jit3A_495 = arith.constant 0.000000e+00 : f32
      %broadcast_in_dim3A_496 = vector.broadcast %jit3A_495 : f32 to vector<16xf32>
      %select_n3A_497 = arith.select %eq3A_490, %get3A_494, %broadcast_in_dim3A_496 : vector<16xi1>, vector<16xf32>
      %add3A_498 = arith.addf %add3A_481, %select_n3A_497 : vector<16xf32>
      %add3A_499 = arith.constant 64 : i32
      %add3A_500 = arith.addi %multiple_of3A_323, %add3A_499 : i32
      %get3A_501 = arith.index_cast %add3A_500 : i32 to index
      %get3A_502 = tpu.vector_load %arg6[%get3A_501] {strides = array<i32>} : memref<6400xi32, #tpu.memory_space<vmem>>, vector<16xi32>,
      %gather3A_503 = tpu.vector_load_idx %arg8[%get3A_502] : memref<100000xi32, #tpu.memory_space<vmem>>[vector<16xi32>], vector<16xi32>,
      %add3A_504 = arith.constant 64 : i32
      %add3A_505 = vector.broadcast %add3A_504 : i32 to vector<16xi32>
      %add3A_506 = arith.addi %iota3A, %add3A_505 : vector<16xi32>
      %eq3A_507 = arith.cmpi eq, %gather3A_503, %add3A_506 : vector<16xi32>
      %add3A_508 = arith.constant 64 : i32
      %add3A_509 = arith.addi %multiple_of3A_323, %add3A_508 : i32
      %get3A_510 = arith.index_cast %add3A_509 : i32 to index
      %get3A_511 = tpu.vector_load %arg7[%get3A_510] {strides = array<i32>} : memref<6400xf32, #tpu.memory_space<vmem>>, vector<16xf32>,
      %jit3A_512 = arith.constant 0.000000e+00 : f32
      %broadcast_in_dim3A_513 = vector.broadcast %jit3A_512 : f32 to vector<16xf32>
      %select_n3A_514 = arith.select %eq3A_507, %get3A_511, %broadcast_in_dim3A_513 : vector<16xi1>, vector<16xf32>
      %add3A_515 = arith.addf %add3A_498, %select_n3A_514 : vector<16xf32>
      %add3A_516 = arith.constant 80 : i32
      %add3A_517 = arith.addi %multiple_of3A_323, %add3A_516 : i32
      %get3A_518 = arith.index_cast %add3A_517 : i32 to index
      %get3A_519 = tpu.vector_load %arg6[%get3A_518] {strides = array<i32>} : memref<6400xi32, #tpu.memory_space<vmem>>, vector<16xi32>,
      %gather3A_520 = tpu.vector_load_idx %arg8[%get3A_519] : memref<100000xi32, #tpu.memory_space<vmem>>[vector<16xi32>], vector<16xi32>,
      %add3A_521 = arith.constant 80 : i32
      %add3A_522 = vector.broadcast %add3A_521 : i32 to vector<16xi32>
      %add3A_523 = arith.addi %iota3A, %add3A_522 : vector<16xi32>
      %eq3A_524 = arith.cmpi eq, %gather3A_520, %add3A_523 : vector<16xi32>
      %add3A_525 = arith.constant 80 : i32
      %add3A_526 = arith.addi %multiple_of3A_323, %add3A_525 : i32
      %get3A_527 = arith.index_cast %add3A_526 : i32 to index
      %get3A_528 = tpu.vector_load %arg7[%get3A_527] {strides = array<i32>} : memref<6400xf32, #tpu.memory_space<vmem>>, vector<16xf32>,
      %jit3A_529 = arith.constant 0.000000e+00 : f32
      %broadcast_in_dim3A_530 = vector.broadcast %jit3A_529 : f32 to vector<16xf32>
      %select_n3A_531 = arith.select %eq3A_524, %get3A_528, %broadcast_in_dim3A_530 : vector<16xi1>, vector<16xf32>
      %add3A_532 = arith.addf %add3A_515, %select_n3A_531 : vector<16xf32>
      %add3A_533 = arith.constant 96 : i32
      %add3A_534 = arith.addi %multiple_of3A_323, %add3A_533 : i32
      %get3A_535 = arith.index_cast %add3A_534 : i32 to index
      %get3A_536 = tpu.vector_load %arg6[%get3A_535] {strides = array<i32>} : memref<6400xi32, #tpu.memory_space<vmem>>, vector<16xi32>,
      %gather3A_537 = tpu.vector_load_idx %arg8[%get3A_536] : memref<100000xi32, #tpu.memory_space<vmem>>[vector<16xi32>], vector<16xi32>,
      %add3A_538 = arith.constant 96 : i32
      %add3A_539 = vector.broadcast %add3A_538 : i32 to vector<16xi32>
      %add3A_540 = arith.addi %iota3A, %add3A_539 : vector<16xi32>
      %eq3A_541 = arith.cmpi eq, %gather3A_537, %add3A_540 : vector<16xi32>
      %add3A_542 = arith.constant 96 : i32
      %add3A_543 = arith.addi %multiple_of3A_323, %add3A_542 : i32
      %get3A_544 = arith.index_cast %add3A_543 : i32 to index
      %get3A_545 = tpu.vector_load %arg7[%get3A_544] {strides = array<i32>} : memref<6400xf32, #tpu.memory_space<vmem>>, vector<16xf32>,
      %jit3A_546 = arith.constant 0.000000e+00 : f32
      %broadcast_in_dim3A_547 = vector.broadcast %jit3A_546 : f32 to vector<16xf32>
      %select_n3A_548 = arith.select %eq3A_541, %get3A_545, %broadcast_in_dim3A_547 : vector<16xi1>, vector<16xf32>
      %add3A_549 = arith.addf %add3A_532, %select_n3A_548 : vector<16xf32>
      %add3A_550 = arith.constant 112 : i32
      %add3A_551 = arith.addi %multiple_of3A_323, %add3A_550 : i32
      %get3A_552 = arith.index_cast %add3A_551 : i32 to index
      %get3A_553 = tpu.vector_load %arg6[%get3A_552] {strides = array<i32>} : memref<6400xi32, #tpu.memory_space<vmem>>, vector<16xi32>,
      %gather3A_554 = tpu.vector_load_idx %arg8[%get3A_553] : memref<100000xi32, #tpu.memory_space<vmem>>[vector<16xi32>], vector<16xi32>,
      %add3A_555 = arith.constant 112 : i32
      %add3A_556 = vector.broadcast %add3A_555 : i32 to vector<16xi32>
      %add3A_557 = arith.addi %iota3A, %add3A_556 : vector<16xi32>
      %eq3A_558 = arith.cmpi eq, %gather3A_554, %add3A_557 : vector<16xi32>
      %add3A_559 = arith.constant 112 : i32
      %add3A_560 = arith.addi %multiple_of3A_323, %add3A_559 : i32
      %get3A_561 = arith.index_cast %add3A_560 : i32 to index
      %get3A_562 = tpu.vector_load %arg7[%get3A_561] {strides = array<i32>} : memref<6400xf32, #tpu.memory_space<vmem>>, vector<16xf32>,
      %jit3A_563 = arith.constant 0.000000e+00 : f32
      %broadcast_in_dim3A_564 = vector.broadcast %jit3A_563 : f32 to vector<16xf32>
      %select_n3A_565 = arith.select %eq3A_558, %get3A_562, %broadcast_in_dim3A_564 : vector<16xi1>, vector<16xf32>
      %add3A_566 = arith.addf %add3A_549, %select_n3A_565 : vector<16xf32>
      %add3A_567 = arith.constant 128 : i32
      %add3A_568 = arith.addi %multiple_of3A_323, %add3A_567 : i32
      %get3A_569 = arith.index_cast %add3A_568 : i32 to index
      %get3A_570 = tpu.vector_load %arg6[%get3A_569] {strides = array<i32>} : memref<6400xi32, #tpu.memory_space<vmem>>, vector<16xi32>,
      %gather3A_571 = tpu.vector_load_idx %arg8[%get3A_570] : memref<100000xi32, #tpu.memory_space<vmem>>[vector<16xi32>], vector<16xi32>,
      %add3A_572 = arith.constant 128 : i32
      %add3A_573 = vector.broadcast %add3A_572 : i32 to vector<16xi32>
      %add3A_574 = arith.addi %iota3A, %add3A_573 : vector<16xi32>
      %eq3A_575 = arith.cmpi eq, %gather3A_571, %add3A_574 : vector<16xi32>
      %add3A_576 = arith.constant 128 : i32
      %add3A_577 = arith.addi %multiple_of3A_323, %add3A_576 : i32
      %get3A_578 = arith.index_cast %add3A_577 : i32 to index
      %get3A_579 = tpu.vector_load %arg7[%get3A_578] {strides = array<i32>} : memref<6400xf32, #tpu.memory_space<vmem>>, vector<16xf32>,
      %jit3A_580 = arith.constant 0.000000e+00 : f32
      %broadcast_in_dim3A_581 = vector.broadcast %jit3A_580 : f32 to vector<16xf32>
      %select_n3A_582 = arith.select %eq3A_575, %get3A_579, %broadcast_in_dim3A_581 : vector<16xi1>, vector<16xf32>
      %add3A_583 = arith.addf %add3A_566, %select_n3A_582 : vector<16xf32>
      %add3A_584 = arith.constant 144 : i32
      %add3A_585 = arith.addi %multiple_of3A_323, %add3A_584 : i32
      %get3A_586 = arith.index_cast %add3A_585 : i32 to index
      %get3A_587 = tpu.vector_load %arg6[%get3A_586] {strides = array<i32>} : memref<6400xi32, #tpu.memory_space<vmem>>, vector<16xi32>,
      %gather3A_588 = tpu.vector_load_idx %arg8[%get3A_587] : memref<100000xi32, #tpu.memory_space<vmem>>[vector<16xi32>], vector<16xi32>,
      %add3A_589 = arith.constant 144 : i32
      %add3A_590 = vector.broadcast %add3A_589 : i32 to vector<16xi32>
      %add3A_591 = arith.addi %iota3A, %add3A_590 : vector<16xi32>
      %eq3A_592 = arith.cmpi eq, %gather3A_588, %add3A_591 : vector<16xi32>
      %add3A_593 = arith.constant 144 : i32
      %add3A_594 = arith.addi %multiple_of3A_323, %add3A_593 : i32
      %get3A_595 = arith.index_cast %add3A_594 : i32 to index
      %get3A_596 = tpu.vector_load %arg7[%get3A_595] {strides = array<i32>} : memref<6400xf32, #tpu.memory_space<vmem>>, vector<16xf32>,
      %jit3A_597 = arith.constant 0.000000e+00 : f32
      %broadcast_in_dim3A_598 = vector.broadcast %jit3A_597 : f32 to vector<16xf32>
      %select_n3A_599 = arith.select %eq3A_592, %get3A_596, %broadcast_in_dim3A_598 : vector<16xi1>, vector<16xf32>
      %add3A_600 = arith.addf %add3A_583, %select_n3A_599 : vector<16xf32>
      %add3A_601 = arith.constant 160 : i32
      %add3A_602 = arith.addi %multiple_of3A_323, %add3A_601 : i32
      %get3A_603 = arith.index_cast %add3A_602 : i32 to index
      %get3A_604 = tpu.vector_load %arg6[%get3A_603] {strides = array<i32>} : memref<6400xi32, #tpu.memory_space<vmem>>, vector<16xi32>,
      %gather3A_605 = tpu.vector_load_idx %arg8[%get3A_604] : memref<100000xi32, #tpu.memory_space<vmem>>[vector<16xi32>], vector<16xi32>,
      %add3A_606 = arith.constant 160 : i32
      %add3A_607 = vector.broadcast %add3A_606 : i32 to vector<16xi32>
      %add3A_608 = arith.addi %iota3A, %add3A_607 : vector<16xi32>
      %eq3A_609 = arith.cmpi eq, %gather3A_605, %add3A_608 : vector<16xi32>
      %add3A_610 = arith.constant 160 : i32
      %add3A_611 = arith.addi %multiple_of3A_323, %add3A_610 : i32
      %get3A_612 = arith.index_cast %add3A_611 : i32 to index
      %get3A_613 = tpu.vector_load %arg7[%get3A_612] {strides = array<i32>} : memref<6400xf32, #tpu.memory_space<vmem>>, vector<16xf32>,
      %jit3A_614 = arith.constant 0.000000e+00 : f32
      %broadcast_in_dim3A_615 = vector.broadcast %jit3A_614 : f32 to vector<16xf32>
      %select_n3A_616 = arith.select %eq3A_609, %get3A_613, %broadcast_in_dim3A_615 : vector<16xi1>, vector<16xf32>
      %add3A_617 = arith.addf %add3A_600, %select_n3A_616 : vector<16xf32>
      %add3A_618 = arith.constant 176 : i32
      %add3A_619 = arith.addi %multiple_of3A_323, %add3A_618 : i32
      %get3A_620 = arith.index_cast %add3A_619 : i32 to index
      %get3A_621 = tpu.vector_load %arg6[%get3A_620] {strides = array<i32>} : memref<6400xi32, #tpu.memory_space<vmem>>, vector<16xi32>,
      %gather3A_622 = tpu.vector_load_idx %arg8[%get3A_621] : memref<100000xi32, #tpu.memory_space<vmem>>[vector<16xi32>], vector<16xi32>,
      %add3A_623 = arith.constant 176 : i32
      %add3A_624 = vector.broadcast %add3A_623 : i32 to vector<16xi32>
      %add3A_625 = arith.addi %iota3A, %add3A_624 : vector<16xi32>
      %eq3A_626 = arith.cmpi eq, %gather3A_622, %add3A_625 : vector<16xi32>
      %add3A_627 = arith.constant 176 : i32
      %add3A_628 = arith.addi %multiple_of3A_323, %add3A_627 : i32
      %get3A_629 = arith.index_cast %add3A_628 : i32 to index
      %get3A_630 = tpu.vector_load %arg7[%get3A_629] {strides = array<i32>} : memref<6400xf32, #tpu.memory_space<vmem>>, vector<16xf32>,
      %jit3A_631 = arith.constant 0.000000e+00 : f32
      %broadcast_in_dim3A_632 = vector.broadcast %jit3A_631 : f32 to vector<16xf32>
      %select_n3A_633 = arith.select %eq3A_626, %get3A_630, %broadcast_in_dim3A_632 : vector<16xi1>, vector<16xf32>
      %add3A_634 = arith.addf %add3A_617, %select_n3A_633 : vector<16xf32>
      %gather3A_635 = tpu.vector_load_idx %arg8[%get3A_428] : memref<100000xi32, #tpu.memory_space<vmem>>[vector<16xi32>], vector<16xi32>,
      %eq3A_636 = arith.cmpi eq, %gather3A_635, %add3A_426 : vector<16xi32>
      %and3A = arith.andi %eq3A_636, %xor3A_422 : vector<16xi1>
      %jit3A_637 = arith.constant 0.000000e+00 : f32
      %broadcast_in_dim3A_638 = vector.broadcast %jit3A_637 : f32 to vector<16xf32>
      %select_n3A_639 = arith.select %and3A, %get3A_430, %broadcast_in_dim3A_638 : vector<16xi1>, vector<16xf32>
      %add3A_640 = arith.addf %add3A_634, %select_n3A_639 : vector<16xf32>
      %rem3A = arith.constant 16 : i32
      %rem3A_641 = arith.remsi %scan3A_319, %rem3A : i32
      %mul3A_642 = arith.constant 16 : i32
      %mul3A_643 = arith.muli %rem3A_641, %mul3A_642 : i32
      %multiple_of3A_644 = tpu.assume_multiple %mul3A_643, 16 : i32
      %swap3A = arith.index_cast %multiple_of3A_644 : i32 to index
      %swap3A_645 = tpu.vector_load %arg9[%swap3A] {strides = array<i32>} : memref<256xf32, #tpu.memory_space<vmem>>, vector<16xf32>,
      tpu.vector_store %arg9[%swap3A], %add3A_640 {strides = array<i32>} : memref<256xf32, #tpu.memory_space<vmem>>, vector<16xf32>,
      %rem3A_646 = arith.constant 16 : i32
      %rem3A_647 = arith.remsi %scan3A_319, %rem3A_646 : i32
      %eq3A_648 = arith.constant 15 : i32
      %eq3A_649 = arith.cmpi eq, %rem3A_647, %eq3A_648 : i32
      %convert_element_type3A_650 = arith.extui %eq3A_649 : i1 to i32
      %cond3A_651 = arith.constant 0 : i32
      %cond3A_652 = arith.cmpi ne, %convert_element_type3A_650, %cond3A_651 : i32
      scf.if %cond3A_652 {
        %broadcast_in_dim3A_654 = arith.constant 0.000000e+00 : f32
        %broadcast_in_dim3A_655 = vector.broadcast %broadcast_in_dim3A_654 : f32 to vector<16xf32>
        %mul3A_656 = arith.constant 16 : i32
        %mul3A_657 = vector.broadcast %mul3A_656 : i32 to vector<16xi32>
        %mul3A_658 = arith.muli %iota3A, %mul3A_657 : vector<16xi32>
        %add3A_659 = arith.constant 0 : i32
        %add3A_660 = vector.broadcast %add3A_659 : i32 to vector<16xi32>
        %add3A_661 = arith.addi %mul3A_658, %add3A_660 : vector<16xi32>
        %gather3A_662 = tpu.vector_load_idx %arg9[%add3A_661] : memref<256xf32, #tpu.memory_space<vmem>>[vector<16xi32>], vector<16xf32>,
        %add3A_663 = arith.addf %broadcast_in_dim3A_655, %gather3A_662 : vector<16xf32>
        %mul3A_664 = arith.constant 16 : i32
        %mul3A_665 = vector.broadcast %mul3A_664 : i32 to vector<16xi32>
        %mul3A_666 = arith.muli %iota3A, %mul3A_665 : vector<16xi32>
        %add3A_667 = arith.constant 1 : i32
        %add3A_668 = vector.broadcast %add3A_667 : i32 to vector<16xi32>
        %add3A_669 = arith.addi %mul3A_666, %add3A_668 : vector<16xi32>
        %gather3A_670 = tpu.vector_load_idx %arg9[%add3A_669] : memref<256xf32, #tpu.memory_space<vmem>>[vector<16xi32>], vector<16xf32>,
        %add3A_671 = arith.addf %add3A_663, %gather3A_670 : vector<16xf32>
        %mul3A_672 = arith.constant 16 : i32
        %mul3A_673 = vector.broadcast %mul3A_672 : i32 to vector<16xi32>
        %mul3A_674 = arith.muli %iota3A, %mul3A_673 : vector<16xi32>
        %add3A_675 = arith.constant 2 : i32
        %add3A_676 = vector.broadcast %add3A_675 : i32 to vector<16xi32>
        %add3A_677 = arith.addi %mul3A_674, %add3A_676 : vector<16xi32>
        %gather3A_678 = tpu.vector_load_idx %arg9[%add3A_677] : memref<256xf32, #tpu.memory_space<vmem>>[vector<16xi32>], vector<16xf32>,
        %add3A_679 = arith.addf %add3A_671, %gather3A_678 : vector<16xf32>
        %mul3A_680 = arith.constant 16 : i32
        %mul3A_681 = vector.broadcast %mul3A_680 : i32 to vector<16xi32>
        %mul3A_682 = arith.muli %iota3A, %mul3A_681 : vector<16xi32>
        %add3A_683 = arith.constant 3 : i32
        %add3A_684 = vector.broadcast %add3A_683 : i32 to vector<16xi32>
        %add3A_685 = arith.addi %mul3A_682, %add3A_684 : vector<16xi32>
        %gather3A_686 = tpu.vector_load_idx %arg9[%add3A_685] : memref<256xf32, #tpu.memory_space<vmem>>[vector<16xi32>], vector<16xf32>,
        %add3A_687 = arith.addf %add3A_679, %gather3A_686 : vector<16xf32>
        %mul3A_688 = arith.constant 16 : i32
        %mul3A_689 = vector.broadcast %mul3A_688 : i32 to vector<16xi32>
        %mul3A_690 = arith.muli %iota3A, %mul3A_689 : vector<16xi32>
        %add3A_691 = arith.constant 4 : i32
        %add3A_692 = vector.broadcast %add3A_691 : i32 to vector<16xi32>
        %add3A_693 = arith.addi %mul3A_690, %add3A_692 : vector<16xi32>
        %gather3A_694 = tpu.vector_load_idx %arg9[%add3A_693] : memref<256xf32, #tpu.memory_space<vmem>>[vector<16xi32>], vector<16xf32>,
        %add3A_695 = arith.addf %add3A_687, %gather3A_694 : vector<16xf32>
        %mul3A_696 = arith.constant 16 : i32
        %mul3A_697 = vector.broadcast %mul3A_696 : i32 to vector<16xi32>
        %mul3A_698 = arith.muli %iota3A, %mul3A_697 : vector<16xi32>
        %add3A_699 = arith.constant 5 : i32
        %add3A_700 = vector.broadcast %add3A_699 : i32 to vector<16xi32>
        %add3A_701 = arith.addi %mul3A_698, %add3A_700 : vector<16xi32>
        %gather3A_702 = tpu.vector_load_idx %arg9[%add3A_701] : memref<256xf32, #tpu.memory_space<vmem>>[vector<16xi32>], vector<16xf32>,
        %add3A_703 = arith.addf %add3A_695, %gather3A_702 : vector<16xf32>
        %mul3A_704 = arith.constant 16 : i32
        %mul3A_705 = vector.broadcast %mul3A_704 : i32 to vector<16xi32>
        %mul3A_706 = arith.muli %iota3A, %mul3A_705 : vector<16xi32>
        %add3A_707 = arith.constant 6 : i32
        %add3A_708 = vector.broadcast %add3A_707 : i32 to vector<16xi32>
        %add3A_709 = arith.addi %mul3A_706, %add3A_708 : vector<16xi32>
        %gather3A_710 = tpu.vector_load_idx %arg9[%add3A_709] : memref<256xf32, #tpu.memory_space<vmem>>[vector<16xi32>], vector<16xf32>,
        %add3A_711 = arith.addf %add3A_703, %gather3A_710 : vector<16xf32>
        %mul3A_712 = arith.constant 16 : i32
        %mul3A_713 = vector.broadcast %mul3A_712 : i32 to vector<16xi32>
        %mul3A_714 = arith.muli %iota3A, %mul3A_713 : vector<16xi32>
        %add3A_715 = arith.constant 7 : i32
        %add3A_716 = vector.broadcast %add3A_715 : i32 to vector<16xi32>
        %add3A_717 = arith.addi %mul3A_714, %add3A_716 : vector<16xi32>
        %gather3A_718 = tpu.vector_load_idx %arg9[%add3A_717] : memref<256xf32, #tpu.memory_space<vmem>>[vector<16xi32>], vector<16xf32>,
        %add3A_719 = arith.addf %add3A_711, %gather3A_718 : vector<16xf32>
        %mul3A_720 = arith.constant 16 : i32
        %mul3A_721 = vector.broadcast %mul3A_720 : i32 to vector<16xi32>
        %mul3A_722 = arith.muli %iota3A, %mul3A_721 : vector<16xi32>
        %add3A_723 = arith.constant 8 : i32
        %add3A_724 = vector.broadcast %add3A_723 : i32 to vector<16xi32>
        %add3A_725 = arith.addi %mul3A_722, %add3A_724 : vector<16xi32>
        %gather3A_726 = tpu.vector_load_idx %arg9[%add3A_725] : memref<256xf32, #tpu.memory_space<vmem>>[vector<16xi32>], vector<16xf32>,
        %add3A_727 = arith.addf %add3A_719, %gather3A_726 : vector<16xf32>
        %mul3A_728 = arith.constant 16 : i32
        %mul3A_729 = vector.broadcast %mul3A_728 : i32 to vector<16xi32>
        %mul3A_730 = arith.muli %iota3A, %mul3A_729 : vector<16xi32>
        %add3A_731 = arith.constant 9 : i32
        %add3A_732 = vector.broadcast %add3A_731 : i32 to vector<16xi32>
        %add3A_733 = arith.addi %mul3A_730, %add3A_732 : vector<16xi32>
        %gather3A_734 = tpu.vector_load_idx %arg9[%add3A_733] : memref<256xf32, #tpu.memory_space<vmem>>[vector<16xi32>], vector<16xf32>,
        %add3A_735 = arith.addf %add3A_727, %gather3A_734 : vector<16xf32>
        %mul3A_736 = arith.constant 16 : i32
        %mul3A_737 = vector.broadcast %mul3A_736 : i32 to vector<16xi32>
        %mul3A_738 = arith.muli %iota3A, %mul3A_737 : vector<16xi32>
        %add3A_739 = arith.constant 10 : i32
        %add3A_740 = vector.broadcast %add3A_739 : i32 to vector<16xi32>
        %add3A_741 = arith.addi %mul3A_738, %add3A_740 : vector<16xi32>
        %gather3A_742 = tpu.vector_load_idx %arg9[%add3A_741] : memref<256xf32, #tpu.memory_space<vmem>>[vector<16xi32>], vector<16xf32>,
        %add3A_743 = arith.addf %add3A_735, %gather3A_742 : vector<16xf32>
        %mul3A_744 = arith.constant 16 : i32
        %mul3A_745 = vector.broadcast %mul3A_744 : i32 to vector<16xi32>
        %mul3A_746 = arith.muli %iota3A, %mul3A_745 : vector<16xi32>
        %add3A_747 = arith.constant 11 : i32
        %add3A_748 = vector.broadcast %add3A_747 : i32 to vector<16xi32>
        %add3A_749 = arith.addi %mul3A_746, %add3A_748 : vector<16xi32>
        %gather3A_750 = tpu.vector_load_idx %arg9[%add3A_749] : memref<256xf32, #tpu.memory_space<vmem>>[vector<16xi32>], vector<16xf32>,
        %add3A_751 = arith.addf %add3A_743, %gather3A_750 : vector<16xf32>
        %mul3A_752 = arith.constant 16 : i32
        %mul3A_753 = vector.broadcast %mul3A_752 : i32 to vector<16xi32>
        %mul3A_754 = arith.muli %iota3A, %mul3A_753 : vector<16xi32>
        %add3A_755 = arith.constant 12 : i32
        %add3A_756 = vector.broadcast %add3A_755 : i32 to vector<16xi32>
        %add3A_757 = arith.addi %mul3A_754, %add3A_756 : vector<16xi32>
        %gather3A_758 = tpu.vector_load_idx %arg9[%add3A_757] : memref<256xf32, #tpu.memory_space<vmem>>[vector<16xi32>], vector<16xf32>,
        %add3A_759 = arith.addf %add3A_751, %gather3A_758 : vector<16xf32>
        %mul3A_760 = arith.constant 16 : i32
        %mul3A_761 = vector.broadcast %mul3A_760 : i32 to vector<16xi32>
        %mul3A_762 = arith.muli %iota3A, %mul3A_761 : vector<16xi32>
        %add3A_763 = arith.constant 13 : i32
        %add3A_764 = vector.broadcast %add3A_763 : i32 to vector<16xi32>
        %add3A_765 = arith.addi %mul3A_762, %add3A_764 : vector<16xi32>
        %gather3A_766 = tpu.vector_load_idx %arg9[%add3A_765] : memref<256xf32, #tpu.memory_space<vmem>>[vector<16xi32>], vector<16xf32>,
        %add3A_767 = arith.addf %add3A_759, %gather3A_766 : vector<16xf32>
        %mul3A_768 = arith.constant 16 : i32
        %mul3A_769 = vector.broadcast %mul3A_768 : i32 to vector<16xi32>
        %mul3A_770 = arith.muli %iota3A, %mul3A_769 : vector<16xi32>
        %add3A_771 = arith.constant 14 : i32
        %add3A_772 = vector.broadcast %add3A_771 : i32 to vector<16xi32>
        %add3A_773 = arith.addi %mul3A_770, %add3A_772 : vector<16xi32>
        %gather3A_774 = tpu.vector_load_idx %arg9[%add3A_773] : memref<256xf32, #tpu.memory_space<vmem>>[vector<16xi32>], vector<16xf32>,
        %add3A_775 = arith.addf %add3A_767, %gather3A_774 : vector<16xf32>
        %mul3A_776 = arith.constant 16 : i32
        %mul3A_777 = vector.broadcast %mul3A_776 : i32 to vector<16xi32>
        %mul3A_778 = arith.muli %iota3A, %mul3A_777 : vector<16xi32>
        %add3A_779 = arith.constant 15 : i32
        %add3A_780 = vector.broadcast %add3A_779 : i32 to vector<16xi32>
        %add3A_781 = arith.addi %mul3A_778, %add3A_780 : vector<16xi32>
        %gather3A_782 = tpu.vector_load_idx %arg9[%add3A_781] : memref<256xf32, #tpu.memory_space<vmem>>[vector<16xi32>], vector<16xf32>,
        %add3A_783 = arith.addf %add3A_775, %gather3A_782 : vector<16xf32>
        %add3A_784 = arith.addf %add3A_783, %gather3A : vector<16xf32>
        %div3A = arith.constant 16 : i32
        %div3A_785 = arith.divsi %scan3A_319, %div3A : i32
        %mul3A_786 = arith.constant 16 : i32
        %mul3A_787 = arith.muli %div3A_785, %mul3A_786 : i32
        %multiple_of3A_788 = tpu.assume_multiple %mul3A_787, 16 : i32
        %neg3A = arith.constant 0.000000e+00 : f32
        %neg3A_789 = vector.broadcast %neg3A : f32 to vector<16xf32>
        %neg3A_790 = arith.subf %neg3A_789, %add3A_784 : vector<16xf32>
        %exp3A = math.exp %neg3A_790 : vector<16xf32>
        %add3A_791 = arith.constant 1.000000e+00 : f32
        %add3A_792 = vector.broadcast %add3A_791 : f32 to vector<16xf32>
        %add3A_793 = arith.addf %add3A_792, %exp3A : vector<16xf32>
        %div3A_794 = arith.constant 1.000000e+00 : f32
        %div3A_795 = vector.broadcast %div3A_794 : f32 to vector<16xf32>
        %div3A_796 = arith.divf %div3A_795, %add3A_793 : vector<16xf32>
        %swap3A_797 = arith.index_cast %multiple_of3A_788 : i32 to index
        %swap3A_798 = tpu.vector_load %arg10[%swap3A_797] {strides = array<i32>} : memref<32xf32, #tpu.memory_space<vmem>>, vector<16xf32>,
        tpu.vector_store %arg10[%swap3A_797], %div3A_796 {strides = array<i32>} : memref<32xf32, #tpu.memory_space<vmem>>, vector<16xf32>,
      } else {
      }
      %scan3A_653 = arith.constant 0 : i32
      scf.yield %scan3A_653 : i32
    }
    %scan3A_317 = arith.constant 32 : i32
    %multiple_of3A_318 = tpu.assume_multiple %mul3A_2, 32 : i32
    "tpu.region"() ({
      %run_scoped3A = tpu.sem_alloc : memref<!tpu.dma_semaphore, #tpu.memory_space<semaphore_mem>>
      %dma_start3A_319 = tpu.memref_slice %arg5[%multiple_of3A_318] : memref<1024xf32, #tpu.memory_space<hbm>> -> memref<32xf32, #tpu.memory_space<hbm>>
      %dma_start3A_320 = tpu.memref_slice %arg5[%multiple_of3A_318] : memref<1024xf32, #tpu.memory_space<hbm>> -> memref<32xf32, #tpu.memory_space<hbm>>
      tpu.enqueue_dma source(%arg10 : memref<32xf32, #tpu.memory_space<vmem>>) target(%dma_start3A_320 : memref<32xf32, #tpu.memory_space<hbm>>) target_semaphore(%run_scoped3A : memref<!tpu.dma_semaphore, #tpu.memory_space<semaphore_mem>>)
      %dma_wait3A_321 = tpu.memref_slice %arg5[%multiple_of3A_318] : memref<1024xf32, #tpu.memory_space<hbm>> -> memref<32xf32, #tpu.memory_space<hbm>>
      %dma_wait3A_322 = tpu.memref_slice %arg5[%multiple_of3A_318] : memref<1024xf32, #tpu.memory_space<hbm>> -> memref<32xf32, #tpu.memory_space<hbm>>
      tpu.wait_dma2 semaphore(%run_scoped3A : memref<!tpu.dma_semaphore, #tpu.memory_space<semaphore_mem>>) src(%arg10 : memref<32xf32, #tpu.memory_space<vmem>>) dst(%dma_wait3A_322 : memref<32xf32, #tpu.memory_space<hbm>>)
      tpu.yield
    }) : () -> ()
    return
  }
}

</mosaic_0001>

<sc_bundles>
// kernel: kernel.3.cloned.1.call-start
scs
__scs_entry_jumppad:
0x0: {  	(pc) =	sbr.rel $0x88, $3  }
0x1: {  	(tag) =	ssettag $0x0;
	lr =	simm.s32 $0x1  }
0x2: {  	[smem:$0x3F9E] =	sst lr;
	_ =	strace $0xD0000000  }
0x3: {  	_ = 	snop  }
0x4: {  	_ = 	snop  }
0x5: {  	_ = 	snop  }
0x6: {  	_ = 	snop  }
0x7: {  	_ = 	snop  }
__scs_overlays_trampoline_lowered:
0x8: {  	[smem:$0x3FAD] =	sst s0  }
0x9: {  	[smem:$0x3FAE] =	sst s1  }
0xa: {  	[smem:$0x3FAF] =	sst s2  }
0xb: {  	[smem:$0x3FB0] =	sst s3  }
0xc: {  	[smem:$0x3FB1] =	sst s4  }
0xd: {  	[smem:$0x3FB2] =	sst s5  }
0xe: {  	[smem:$0x3FB3] =	sst s6  }
0xf: {  	[smem:$0x3FB4] =	sst s7  }
0x10: {  	[smem:$0x3FB5] =	sst s8  }
0x11: {  	[smem:$0x3FB6] =	sst s9;
	s0 =	simm.s32 @!p0 $0x0  }
0x12: {  	s1 =	sld [smem:$0x3F9C];
	s0 =	simm.s32 @p0 $0x1  }
0x13: {  	[smem:$0x3FB7] =	sst s0;
	s0 =	simm.s32 @!p1 $0x0  }
0x14: {  	s2 =	sld [smem:$0x3F9B];
	s0 =	simm.s32 @p1 $0x1  }
0x15: {  	[smem:$0x3FB8] =	sst s0;
	s0 =	simm.s32 @!p2 $0x0  }
0x16: {  	s3 =	sld [smem:$0x3FDB];
	s0 =	simm.s32 @p2 $0x1  }
0x17: {  	s4 =	simm.s32 $0x1BF5;
	[smem:$0x3FBA] =	sst s0  }
0x18: {  	s0 =	sld [smem:$0x3F9D];
	_ =	swait.ge [sflag:s4], $0x0  }
0x19: {  	s7 =	sld [smem:$0x3F9E]  }
0x1a: {  	s8 =	sadd.s32 $0xFFFFE003, lr  }
0x1b: {  	s9 =	sadd.s32 $0xFFFFFEF7, lr;
	s5 =	simm.s32 $0xFFFFFFFF;
	p2 =	slt.u32 s8, $0xFFFFF086  }
0x1c: {  	p1 =	slt.u32 s9, $0xF7A;
	s5 =	simm.s32 @!p2 $0x0  }
0x1d: {  	s5 =	simm.s32 @p1 $0x1;
	p0 =	seq.s32 s7, s2  }
0x1e: {  	s7 =	smul.u32 @!p0 $0xF7A, s2;
	p2 =	seq.s32 @!p0 s5, $0x0  }
0x1f: {  	s9 =	smul.u32 $0xF7A, s1;
	s8 =	simm.s32 @!p0 $0x1BF5;
	p2 =	por !p2, p0  }
0x20: {  	[sflag:s8] =	ssyncset.s32 @!p0 $0xFFFFF086;
	s6 =	sadd.s32 @!p0 s3, s7;
	s7 =	simm.s32 @!p0 $0x108  }
0x21: {  	s3 =	sadd.s32 s3, s9;
	s6 =	sadd.s32 @!p0 $0x88, s6;
	s7 =	simm.s32 @p2 $0x1082  }
0x22: {  	[simem:s7], [sflag:s8] =	dma.local @!p0 [hbm:s6], $0xF7A  }
0x23: {  	s9 =	sor.u32 $0xD0000000, s2;
	s6 =	simm.s32 $0x108;
	_ =	swait.ge @!p0 [sflag:s8], $0x0  }
0x24: {  	s3 =	sadd.s32 $0x88, s3;
	s6 =	simm.s32 @!p1 $0x1082;
	[sflag:s4] =	ssyncset.s32 $0xFFFFF086  }
0x25: {  	[simem:s6], [sflag:s4] =	dma.local [hbm:s3], $0xF7A  }
0x26: {  	[smem:$0x3F9E] =	sst s1;
	(tag) =	ssettag s2;
	_ =	strace s9  }
0x27: {  	s1 =	sld [smem:$0x3FAE]  }
0x28: {  	s2 =	sld [smem:$0x3FAF]  }
0x29: {  	s4 =	sld [smem:$0x3FB1]  }
0x2a: {  	p0 =	seq.s32 s5, $0x0;
	s5 =	sld [smem:$0x3FB2]  }
0x2b: {  	s6 =	sld [smem:$0x3FB3]  }
0x2c: {  	s7 =	sld [smem:$0x3FB4]  }
0x2d: {  	s3 =	simm.s32 $0x108;
	s8 =	sld [smem:$0x3FB5]  }
0x2e: {  	s3 =	simm.s32 @!p0 $0x1082;
	s9 =	sld [smem:$0x3FB6]  }
0x2f: {  	lr =	sadd.s32 s0, s3;
	s0 =	sld [smem:$0x3FAD]  }
0x30: {  	s3 =	sld [smem:$0x3FB0]  }
0x31: {  	[smem:$0x3FB9] =	sst s10  }
0x32: {  	s10 =	sld [smem:$0x3FB7];
	_ =	sdelay $0x3  }
0x33: {  	p0 =	seq.s32 s10, $0x1;
	s10 =	sld [smem:$0x3FB9];
	_ =	sdelay $0x3  }
0x34: {  	[smem:$0x3FB9] =	sst s10  }
0x35: {  	s10 =	sld [smem:$0x3FB8];
	_ =	sdelay $0x3  }
0x36: {  	p1 =	seq.s32 s10, $0x1;
	s10 =	sld [smem:$0x3FB9];
	_ =	sdelay $0x3  }
0x37: {  	[smem:$0x3FB9] =	sst s10  }
0x38: {  	s10 =	sld [smem:$0x3FBA]  }
0x39: {  	_ = 	snop;
	(pc) =	sbr.ind lr, $3  }
0x3a: {  	_ = 	snop  }
0x3b: {  	_ = 	snop  }
0x3c: {  	p2 =	seq.s32 s10, $0x1;
	s10 =	sld [smem:$0x3FB9]  }
0x3d: {  	_ =	shalt  }
0x3e: {  	_ =	shalt  }
0x3f: {  	_ =	shalt  }
0x40: {  	_ =	shalt  }
0x41: {  	_ =	shalt  }
0x42: {  	_ =	shalt  }
0x43: {  	_ =	shalt  }
0x44: {  	_ =	shalt  }
0x45: {  	_ =	shalt  }
0x46: {  	_ =	shalt  }
0x47: {  	_ =	shalt  }
0x48: {  	_ =	shalt  }
0x49: {  	_ =	shalt  }
0x4a: {  	_ =	shalt  }
0x4b: {  	_ =	shalt  }
0x4c: {  	_ =	shalt  }
0x4d: {  	_ =	shalt  }
0x4e: {  	_ =	shalt  }
0x4f: {  	_ =	shalt  }
0x50: {  	_ =	shalt  }
0x51: {  	_ =	shalt  }
0x52: {  	_ =	shalt  }
0x53: {  	_ =	shalt  }
0x54: {  	_ =	shalt  }
0x55: {  	_ =	shalt  }
0x56: {  	_ =	shalt  }
0x57: {  	_ =	shalt  }
0x58: {  	_ =	shalt  }
0x59: {  	_ =	shalt  }
0x5a: {  	_ =	shalt  }
0x5b: {  	_ =	shalt  }
0x5c: {  	_ =	shalt  }
0x5d: {  	_ =	shalt  }
0x5e: {  	_ =	shalt  }
0x5f: {  	_ =	shalt  }
0x60: {  	_ =	shalt  }
0x61: {  	_ =	shalt  }
0x62: {  	_ =	shalt  }
0x63: {  	_ =	shalt  }
0x64: {  	_ =	shalt  }
0x65: {  	_ =	shalt  }
0x66: {  	_ =	shalt  }
0x67: {  	_ =	shalt  }
0x68: {  	_ =	shalt  }
0x69: {  	_ =	shalt  }
0x6a: {  	_ =	shalt  }
0x6b: {  	_ =	shalt  }
0x6c: {  	_ =	shalt  }
0x6d: {  	_ =	shalt  }
0x6e: {  	_ =	shalt  }
0x6f: {  	_ =	shalt  }
0x70: {  	_ =	shalt  }
0x71: {  	_ =	shalt  }
0x72: {  	_ =	shalt  }
0x73: {  	_ =	shalt  }
0x74: {  	_ =	shalt  }
0x75: {  	_ =	shalt  }
0x76: {  	_ =	shalt  }
0x77: {  	_ =	shalt  }
0x78: {  	_ =	shalt  }
0x79: {  	_ =	shalt  }
0x7a: {  	_ =	shalt  }
0x7b: {  	_ =	shalt  }
0x7c: {  	_ =	shalt  }
0x7d: {  	_ =	shalt  }
0x7e: {  	_ =	shalt  }
0x7f: {  	_ =	shalt  }
0x80: {  	_ =	shalt  }
0x81: {  	_ =	shalt  }
0x82: {  	_ =	shalt  }
0x83: {  	_ =	shalt  }
0x84: {  	_ =	shalt  }
0x85: {  	_ =	shalt  }
0x86: {  	_ =	shalt  }
0x87: {  	_ =	shalt  }
.Lfunc_end0:
.L_simem_size_0:
called_computation_lowered:
.L_overlay_start_0:
0x88: {  	s2 =	sld [smem:$0x3FD9]  }
0x89: {  	s3 =	sld [smem:$0x3FFE];
	_ =	sdelay $0x1  }
0x8a: {  	s1 =	srdreg.scid  }
0x8b: {  	s0 =	sand.u32 $0x1, s1  }
0x8c: {  	s17 =	sshll.u32 s0, $0xA;
	s2 =	sadd.s32 s3, s2  }
0x8d: {  	s2 =	sadd.s32 s2, s17  }
0x8e: {  	[smem:$0x3FC5] =	sst s2  }
0x8f: {  	_ = 	snop  }
0x90: {  	s2 =	sld [smem:$0x3FC8]  }
0x91: {  	s18 =	sld [smem:$0x3FC7]  }
0x92: {  	s4 =	sld [smem:$0x3FD0];
	(tm) =	ssettm $0x1  }
0x93: {  	s5 =	sld [smem:$0x3FFB];
	_ =	sdelay $0x3  }
0x94: {  	_ =	strace s5  }
0x95: {  	s5 =	sld [smem:$0x3FFC];
	_ =	sdelay $0x3  }
0x96: {  	_ =	strace s5  }
0x97: {  	s5 =	sld [smem:$0x3FFD];
	_ =	sdelay $0x3  }
0x98: {  	_ =	strace s5  }
0x99: {  	_ =	strace $0x8FFFFFFF  }
0x9a: {  	s19 =	sld [smem:$0x3FDB];
	_ =	sdelay $0x1  }
0x9b: {  	s6 =	simm.s32 $_scs_section_size  }
0x9c: {  	s7 =	simm.s32 $_size__tile_overlayer_lowered;
	s8 =	simm.s32 $_tile_overlayer_lowered  }
0x9d: {  	s22 =	simm.s32 $0x1BFF;
	s21 =	sshll.u32 s8, $0x1;
	s5 =	sadd.s32 s6, s19  }
0x9e: {  	s9 =	simm.s32 $0x0;
	s20 =	sshll.u32 s7, $0x1;
	s7 =	sadd.s32 s21, s5  }
0x9f: {  	[timem:s9], [sflag:s22] =	dma.local [hbm:s7], s20  }
0xa0: {  	_ =	swait.ge [sflag:s22], s20  }
0xa1: {  	s6 =	ssub.s32 $0x0, s20;
	[sflag:s22] =	ssyncset.done $0x0  }
0xa2: {  	[sflag:s22] =	ssyncadd.s32 s6;
	_ =	sdelay $0x1  }
0xa3: {  	s23 =	simm.s32 $0x1B8B  }
0xa4: {  	_ =	swait.ge [sflag:s23], $0x1  }
0xa5: {  	[sflag:s23] =	ssyncset.done $0x0  }
0xa6: {  	s25 =	simm.s32 $0x1B8E;
	s24 =	sld [smem:$0x3FFE];
	[sflag:s23] =	ssyncadd.s32 $0xFFFFFFFF  }
0xa7: {  	s26 =	simm.s32 $execute0_lowered;
	[smem:$0x3FD2] =	sst s25  }
0xa8: {  	s7 =	sshll.u32 s26, $0x1;
	_ =	strace $0x80000046;
	[dreg:$0x1] =	wrdreg $0xFFFFFFFF  }
0xa9: {  	s28 =	simm.s32 $_size_execute0_lowered;
	s5 =	sadd.s32 s5, s7;
	[dreg:$0x0] =	wrdreg $0x0  }
0xaa: {  	s7 =	sshll.u32 s28, $0x1;
	[dreg:$0x2] =	wrdreg s5  }
0xab: {  	[dreg:$0x3] =	wrdreg s7  }
0xac: {  	[dreg:$0x4] =	wrdreg $0xC0  }
0xad: {  	_ =	task [dreg:s9], $0x5FFFF  }
0xae: {  	[dreg:$0x1] =	wrdreg $0xFFFFFFFF  }
0xaf: {  	[dreg:$0x0] =	wrdreg $0x60  }
0xb0: {  	[dreg:$0x2] =	wrdreg s24  }
0xb1: {  	[dreg:$0x3] =	wrdreg s2  }
0xb2: {  	[dreg:$0x4] =	wrdreg s18  }
0xb3: {  	[dreg:$0x5] =	wrdreg s4  }
0xb4: {  	[dreg:$0x6] =	wrdreg $0x1BB000  }
0xb5: {  	[dreg:$0x7] =	wrdreg $0x9  }
0xb6: {  	_ =	task.clear_ibuf [dreg:s9], $0x8FFFF;
	_ =	strace $0x90000046  }
0xb7: {  	s29 =	simm.s32 $0x9;
	_ =	strace $0x80000048  }
0xb8: {  	_ =	swait.ge [sflag:s29], $0x1  }
0xb9: {  	[sflag:s29] =	ssyncadd.s32 $0xFFFFFFFF  }
0xba: {  	_ =	strace $0x90000048  }
0xbb: {  	_ =	sfence  }
0xbc: {  	s30 =	sld [smem:$0x0];
	_ =	sdelay $0x2  }
0xbd: {  	s31 =	sshll.u32 s1, $0xD;
	s1 =	sshrl.u32 s1, $0x2  }
0xbe: {  	s3 =	sand.u32 $0x4000, s31;
	s1 =	sadd.s32 s1, s30  }
0xbf: {  	s0 =	sor.u32 s3, s0;
	s1 =	sshll.u32 s1, $0x11  }
0xc0: {  	s0 =	sor.u32 s1, s0  }
0xc1: {  	s0 =	sadd.s32 $0x8F2B, s0  }
0xc2: {  	[sflag:s0] =	ssyncadd.remote.s32 $0x1  }
0xc3: {  	_ =	sfence.sel $0xFFFF  }
0xc4: {  	[dreg:$0x0] =	wrdreg $0xFFFFFFFF;
	(pc) =	sbr.abs _section_cstart, $3  }
0xc5: {  	[dreg:$0x1] =	wrdreg $0xFFFFFFFF  }
0xc6: {  	_ =	task.clear_ibuf [dreg:s9], $0x2FFFF;
	_ =	strace $0x9FFFFFFF  }
0xc7: {  	(tm) =	ssettm $0x7FFFFFFF  }
tec
execute0_lowered:
.L_overlay_start_1:
0x0: {  	(tag) =	ssettag $0x1  }
0x1: {  	s0 =	rddreg [dreg:$0x0]  }
0x2: {  	s1 =	rddreg [dreg:$0x3];
	s2 =	srdreg.scid  }
0x3: {  	s7 =	stileid.u32;
	s3 =	rddreg [dreg:$0x4];
	s4 =	simm.s32 $0x0  }
0x4: {  	s10 =	simm.s32 $0x2;
	s11 =	simm.s32 $0x80;
	s13 =	simm.s32 $0x2F80  }
0x5: {  	s14 =	simm.s32 $0x1700;
	s15 =	simm.s32 $0x3000;
	s16 =	simm.s32 $0x1780  }
0x6: {  	s17 =	simm.s32 $0x3080;
	s18 =	simm.s32 $0x1800;
	s19 =	simm.s32 $0x3100  }
0x7: {  	s20 =	simm.s32 $0x1880;
	s21 =	simm.s32 $0x3180;
	s22 =	simm.s32 $0x1  }
0x8: {  	s23 =	simm.s32 $0x3200;
	s24 =	simm.s32 $0x1BA00;
	s25 =	simm.s32 $0x4  }
0x9: {  	s26 =	simm.s32 $0x0;
	s2 =	sand.u32 $0x1, s2;
	s5 =	sshll.u32 s7, $0x1  }
0xa: {  	v0 =	vlaneseq.u32;
	vm0 =	vmxor vm0, vm0;
	[smem:$0x7FF] =	sst s4;
	p0 =	sne.s32 s7, $0x0;
	s5 =	sor.u32 s2, s5  }
0xb: {  	vm1 =	vmmov $0xff;
	v1 =	vor.u32 $0x10, v0;
	v2 =	vor.u32 $0x20, v0;
	s2 =	ssub.s32 $0x2, s2;
	_ =	strace $0x80000047;
	s6 =	smul.u32 $0x320, s5  }
0xc: {  	v3 =	vor.u32 $0x30, v0;
	v4 =	vor.u32 $0x40, v0;
	v5 =	vor.u32 $0x50, v0;
	s9 =	sshrl.u32 @!p0 s3, $0x3;
	s8 =	sshrl.u32 s2, $0x1;
	s31 =	sshll.u32 s5, $0x2  }
0xd: {  	v6 =	vor.u32 $0x60, v0;
	v7 =	vor.u32 $0x70, v0;
	v8 =	vor.u32 $0x80, v0;
	s2 =	ssub.s32 s2, s8;
	s8 =	simm.s32 $0x1BA80;
	s0 =	sadd.s32 s6, s0  }
0xe: {  	v9 =	vor.u32 $0x90, v0;
	v10 =	vor.u32 $0xA0, v0;
	v11 =	vor.u32 $0xB0, v0;
	s6 =	sadd.s32 s1, s31;
	s7 =	smax.u32 s2, $0x1;
	s5 =	sadd.s32 $0x400, s0  }
.LBB2_1:
0xf: {  	s0 =	rddreg [dreg:$0x2]  }
0x10: {  	[tilespmem:s8], [sflag:$0x2] =	stream.linear.gather [hbm4b:s0+s4], $0x80, $0x38;
	[tilespmem:$0x1D370] =	vst v63  }
0x11: {  	s1 =	rddreg [dreg:$0x1];
	s0 =	simm.s32 @!p0 $0x1C03  }
0x12: {  	[tilespmem:s4], [sflag:$0x2] =	stream.linear.gather [hbm4b:s5+s4], $0x1900, $0x38;
	[tilespmem:$0x1D370] =	vst v63  }
0x13: {  	[spmem:s9], [sflag:s0] =	dma.local @!p0 [hbm:s1], $0x30E0  }
0x14: {  	s0 =	simm.s32 @!p0 $0x3  }
0x15: {  	_ =	swait.ge @!p0 [sflag:s0], $0x30E0  }
0x16: {  	[sflag:s0] =	ssyncset.done @!p0 $0x0  }
0x17: {  	[sflag:s0] =	ssyncadd.s32 @!p0 $0xFFFFCF20  }
0x18: {  	_ =	swait.ge [sflag:s10], $0x80  }
0x19: {  	[sflag:s10] =	ssyncset.done $0x0  }
0x1a: {  	[sflag:s10] =	ssyncadd.s32 $0xFFFFFF80  }
0x1b: {  	_ =	swait.ge [sflag:s10], $0x1900  }
0x1c: {  	[sflag:s10] =	ssyncset.done $0x0  }
0x1d: {  	[sflag:s10] =	ssyncadd.s32 $0xFFFFE700  }
0x1e: {  	s12 =	simm.s32 $0x1900;
	[bflag:$0x0] =	sbarrier.arrive $0xFFFF  }
0x1f: {  	v12 =	vld.msk [tilespmem:s8+$0x0], $0xffff;
	[tilespmem:s12], [sflag:$0x1] =	stream.indirect.gather [spmem:s3], $0x1, s4, s11, $0xb8  }
0x20: {  	s1 =	simm.s32 $0x1980  }
0x21: {  	[tilespmem:s1], [sflag:$0x1] =	stream.indirect.gather [spmem:s3], $0x1, s11, s11, $0xb8;
	[tilespmem:$0x1D370] =	vst v63  }
0x22: {  	s2 =	simm.s32 $0x100;
	s12 =	simm.s32 $0x1A00  }
0x23: {  	[tilespmem:s12], [sflag:$0x1] =	stream.indirect.gather [spmem:s3], $0x1, s2, s11, $0xb8;
	[tilespmem:$0x1D370] =	vst v63  }
0x24: {  	s2 =	simm.s32 $0x180;
	s12 =	simm.s32 $0x1A80  }
0x25: {  	[tilespmem:s12], [sflag:$0x1] =	stream.indirect.gather [spmem:s3], $0x1, s2, s11, $0xb8;
	[tilespmem:$0x1D370] =	vst v63  }
0x26: {  	s2 =	simm.s32 $0x200;
	s12 =	simm.s32 $0x1B00  }
0x27: {  	[tilespmem:s12], [sflag:$0x1] =	stream.indirect.gather [spmem:s3], $0x1, s2, s11, $0xb8;
	[tilespmem:$0x1D370] =	vst v63  }
0x28: {  	s2 =	simm.s32 $0x280;
	s12 =	simm.s32 $0x1B80  }
0x29: {  	[tilespmem:s12], [sflag:$0x1] =	stream.indirect.gather [spmem:s3], $0x1, s2, s11, $0xb8;
	[tilespmem:$0x1D370] =	vst v63  }
0x2a: {  	s2 =	simm.s32 $0x300;
	s12 =	simm.s32 $0x1C00  }
0x2b: {  	[tilespmem:s12], [sflag:$0x1] =	stream.indirect.gather [spmem:s3], $0x1, s2, s11, $0xb8;
	[tilespmem:$0x1D370] =	vst v63  }
0x2c: {  	s2 =	simm.s32 $0x380;
	s12 =	simm.s32 $0x1C80  }
0x2d: {  	[tilespmem:s12], [sflag:$0x1] =	stream.indirect.gather [spmem:s3], $0x1, s2, s11, $0xb8;
	[tilespmem:$0x1D370] =	vst v63  }
0x2e: {  	s2 =	simm.s32 $0x400;
	s12 =	simm.s32 $0x1D00  }
0x2f: {  	[tilespmem:s12], [sflag:$0x1] =	stream.indirect.gather [spmem:s3], $0x1, s2, s11, $0xb8;
	[tilespmem:$0x1D370] =	vst v63  }
0x30: {  	s2 =	simm.s32 $0x480;
	s12 =	simm.s32 $0x1D80  }
0x31: {  	[tilespmem:s12], [sflag:$0x1] =	stream.indirect.gather [spmem:s3], $0x1, s2, s11, $0xb8;
	[tilespmem:$0x1D370] =	vst v63  }
0x32: {  	s2 =	simm.s32 $0x500;
	s12 =	simm.s32 $0x1E00  }
0x33: {  	[tilespmem:s12], [sflag:$0x1] =	stream.indirect.gather [spmem:s3], $0x1, s2, s11, $0xb8;
	[tilespmem:$0x1D370] =	vst v63  }
0x34: {  	s2 =	simm.s32 $0x580;
	s12 =	simm.s32 $0x1E80  }
0x35: {  	[tilespmem:s12], [sflag:$0x1] =	stream.indirect.gather [spmem:s3], $0x1, s2, s11, $0xb8;
	[tilespmem:$0x1D370] =	vst v63  }
0x36: {  	s2 =	simm.s32 $0x600;
	s12 =	simm.s32 $0x1F00  }
0x37: {  	[tilespmem:s12], [sflag:$0x1] =	stream.indirect.gather [spmem:s3], $0x1, s2, s11, $0xb8;
	[tilespmem:$0x1D370] =	vst v63  }
0x38: {  	s2 =	simm.s32 $0x680;
	s12 =	simm.s32 $0x1F80  }
0x39: {  	[tilespmem:s12], [sflag:$0x1] =	stream.indirect.gather [spmem:s3], $0x1, s2, s11, $0xb8;
	[tilespmem:$0x1D370] =	vst v63  }
0x3a: {  	s2 =	simm.s32 $0x700;
	s12 =	simm.s32 $0x2000  }
0x3b: {  	[tilespmem:s12], [sflag:$0x1] =	stream.indirect.gather [spmem:s3], $0x1, s2, s11, $0xb8;
	[tilespmem:$0x1D370] =	vst v63  }
0x3c: {  	s2 =	simm.s32 $0x780;
	s12 =	simm.s32 $0x2080  }
0x3d: {  	[tilespmem:s12], [sflag:$0x1] =	stream.indirect.gather [spmem:s3], $0x1, s2, s11, $0xb8;
	[tilespmem:$0x1D370] =	vst v63  }
0x3e: {  	s2 =	simm.s32 $0x800;
	s12 =	simm.s32 $0x2100  }
0x3f: {  	[tilespmem:s12], [sflag:$0x1] =	stream.indirect.gather [spmem:s3], $0x1, s2, s11, $0xb8;
	[tilespmem:$0x1D370] =	vst v63  }
0x40: {  	s2 =	simm.s32 $0x880;
	s12 =	simm.s32 $0x2180  }
0x41: {  	[tilespmem:s12], [sflag:$0x1] =	stream.indirect.gather [spmem:s3], $0x1, s2, s11, $0xb8;
	[tilespmem:$0x1D370] =	vst v63  }
0x42: {  	s2 =	simm.s32 $0x900;
	s12 =	simm.s32 $0x2200  }
0x43: {  	[tilespmem:s12], [sflag:$0x1] =	stream.indirect.gather [spmem:s3], $0x1, s2, s11, $0xb8;
	[tilespmem:$0x1D370] =	vst v63  }
0x44: {  	s2 =	simm.s32 $0x980;
	s12 =	simm.s32 $0x2280  }
0x45: {  	[tilespmem:s12], [sflag:$0x1] =	stream.indirect.gather [spmem:s3], $0x1, s2, s11, $0xb8;
	[tilespmem:$0x1D370] =	vst v63  }
0x46: {  	s2 =	simm.s32 $0xA00;
	s12 =	simm.s32 $0x2300  }
0x47: {  	[tilespmem:s12], [sflag:$0x1] =	stream.indirect.gather [spmem:s3], $0x1, s2, s11, $0xb8;
	[tilespmem:$0x1D370] =	vst v63  }
0x48: {  	s2 =	simm.s32 $0xA80;
	s12 =	simm.s32 $0x2380  }
0x49: {  	[tilespmem:s12], [sflag:$0x1] =	stream.indirect.gather [spmem:s3], $0x1, s2, s11, $0xb8;
	[tilespmem:$0x1D370] =	vst v63  }
0x4a: {  	s2 =	simm.s32 $0xB00;
	s12 =	simm.s32 $0x2400  }
0x4b: {  	[tilespmem:s12], [sflag:$0x1] =	stream.indirect.gather [spmem:s3], $0x1, s2, s11, $0xb8;
	[tilespmem:$0x1D370] =	vst v63  }
0x4c: {  	s2 =	simm.s32 $0xB80;
	s12 =	simm.s32 $0x2480  }
0x4d: {  	[tilespmem:s12], [sflag:$0x1] =	stream.indirect.gather [spmem:s3], $0x1, s2, s11, $0xb8;
	[tilespmem:$0x1D370] =	vst v63  }
0x4e: {  	s2 =	simm.s32 $0xC00;
	s12 =	simm.s32 $0x2500  }
0x4f: {  	[tilespmem:s12], [sflag:$0x1] =	stream.indirect.gather [spmem:s3], $0x1, s2, s11, $0xb8;
	[tilespmem:$0x1D370] =	vst v63  }
0x50: {  	s2 =	simm.s32 $0xC80;
	s12 =	simm.s32 $0x2580  }
0x51: {  	[tilespmem:s12], [sflag:$0x1] =	stream.indirect.gather [spmem:s3], $0x1, s2, s11, $0xb8;
	[tilespmem:$0x1D370] =	vst v63  }
0x52: {  	s2 =	simm.s32 $0xD00;
	s12 =	simm.s32 $0x2600  }
0x53: {  	[tilespmem:s12], [sflag:$0x1] =	stream.indirect.gather [spmem:s3], $0x1, s2, s11, $0xb8;
	[tilespmem:$0x1D370] =	vst v63  }
0x54: {  	s2 =	simm.s32 $0xD80;
	s12 =	simm.s32 $0x2680  }
0x55: {  	[tilespmem:s12], [sflag:$0x1] =	stream.indirect.gather [spmem:s3], $0x1, s2, s11, $0xb8;
	[tilespmem:$0x1D370] =	vst v63  }
0x56: {  	s2 =	simm.s32 $0xE00;
	s12 =	simm.s32 $0x2700  }
0x57: {  	[tilespmem:s12], [sflag:$0x1] =	stream.indirect.gather [spmem:s3], $0x1, s2, s11, $0xb8;
	[tilespmem:$0x1D370] =	vst v63  }
0x58: {  	s2 =	simm.s32 $0xE80;
	s12 =	simm.s32 $0x2780  }
0x59: {  	[tilespmem:s12], [sflag:$0x1] =	stream.indirect.gather [spmem:s3], $0x1, s2, s11, $0xb8;
	[tilespmem:$0x1D370] =	vst v63  }
0x5a: {  	s2 =	simm.s32 $0xF00;
	s12 =	simm.s32 $0x2800  }
0x5b: {  	[tilespmem:s12], [sflag:$0x1] =	stream.indirect.gather [spmem:s3], $0x1, s2, s11, $0xb8;
	[tilespmem:$0x1D370] =	vst v63  }
0x5c: {  	s2 =	simm.s32 $0xF80;
	s12 =	simm.s32 $0x2880  }
0x5d: {  	[tilespmem:s12], [sflag:$0x1] =	stream.indirect.gather [spmem:s3], $0x1, s2, s11, $0xb8;
	[tilespmem:$0x1D370] =	vst v63  }
0x5e: {  	s2 =	simm.s32 $0x1000;
	s12 =	simm.s32 $0x2900  }
0x5f: {  	[tilespmem:s12], [sflag:$0x1] =	stream.indirect.gather [spmem:s3], $0x1, s2, s11, $0xb8;
	[tilespmem:$0x1D370] =	vst v63  }
0x60: {  	s2 =	simm.s32 $0x1080;
	s12 =	simm.s32 $0x2980  }
0x61: {  	[tilespmem:s12], [sflag:$0x1] =	stream.indirect.gather [spmem:s3], $0x1, s2, s11, $0xb8;
	[tilespmem:$0x1D370] =	vst v63  }
0x62: {  	s2 =	simm.s32 $0x1100;
	s12 =	simm.s32 $0x2A00  }
0x63: {  	[tilespmem:s12], [sflag:$0x1] =	stream.indirect.gather [spmem:s3], $0x1, s2, s11, $0xb8;
	[tilespmem:$0x1D370] =	vst v63  }
0x64: {  	s2 =	simm.s32 $0x1180;
	s12 =	simm.s32 $0x2A80  }
0x65: {  	[tilespmem:s12], [sflag:$0x1] =	stream.indirect.gather [spmem:s3], $0x1, s2, s11, $0xb8;
	[tilespmem:$0x1D370] =	vst v63  }
0x66: {  	s2 =	simm.s32 $0x1200;
	s12 =	simm.s32 $0x2B00  }
0x67: {  	[tilespmem:s12], [sflag:$0x1] =	stream.indirect.gather [spmem:s3], $0x1, s2, s11, $0xb8;
	[tilespmem:$0x1D370] =	vst v63  }
0x68: {  	s2 =	simm.s32 $0x1280;
	s12 =	simm.s32 $0x2B80  }
0x69: {  	[tilespmem:s12], [sflag:$0x1] =	stream.indirect.gather [spmem:s3], $0x1, s2, s11, $0xb8;
	[tilespmem:$0x1D370] =	vst v63  }
0x6a: {  	s2 =	simm.s32 $0x1300;
	s12 =	simm.s32 $0x2C00  }
0x6b: {  	[tilespmem:s12], [sflag:$0x1] =	stream.indirect.gather [spmem:s3], $0x1, s2, s11, $0xb8;
	[tilespmem:$0x1D370] =	vst v63  }
0x6c: {  	s2 =	simm.s32 $0x1380;
	s12 =	simm.s32 $0x2C80  }
0x6d: {  	[tilespmem:s12], [sflag:$0x1] =	stream.indirect.gather [spmem:s3], $0x1, s2, s11, $0xb8;
	[tilespmem:$0x1D370] =	vst v63  }
0x6e: {  	s2 =	simm.s32 $0x1400;
	s12 =	simm.s32 $0x2D00  }
0x6f: {  	[tilespmem:s12], [sflag:$0x1] =	stream.indirect.gather [spmem:s3], $0x1, s2, s11, $0xb8;
	[tilespmem:$0x1D370] =	vst v63  }
0x70: {  	s2 =	simm.s32 $0x1480;
	s12 =	simm.s32 $0x2D80  }
0x71: {  	[tilespmem:s12], [sflag:$0x1] =	stream.indirect.gather [spmem:s3], $0x1, s2, s11, $0xb8;
	[tilespmem:$0x1D370] =	vst v63  }
0x72: {  	s2 =	simm.s32 $0x1500;
	s12 =	simm.s32 $0x2E00  }
0x73: {  	[tilespmem:s12], [sflag:$0x1] =	stream.indirect.gather [spmem:s3], $0x1, s2, s11, $0xb8;
	[tilespmem:$0x1D370] =	vst v63  }
0x74: {  	s2 =	simm.s32 $0x1580;
	s12 =	simm.s32 $0x2E80  }
0x75: {  	[tilespmem:s12], [sflag:$0x1] =	stream.indirect.gather [spmem:s3], $0x1, s2, s11, $0xb8;
	[tilespmem:$0x1D370] =	vst v63  }
0x76: {  	s1 =	simm.s32 $0x1600;
	s2 =	simm.s32 $0x2F00  }
0x77: {  	[tilespmem:s2], [sflag:$0x1] =	stream.indirect.gather [spmem:s3], $0x1, s1, s11, $0xb8;
	[tilespmem:$0x1D370] =	vst v63  }
0x78: {  	s12 =	simm.s32 $0x1680  }
0x79: {  	[tilespmem:s13], [sflag:$0x1] =	stream.indirect.gather [spmem:s3], $0x1, s12, s11, $0xb8;
	[tilespmem:$0x1D370] =	vst v63  }
0x7a: {  	_ = 	snop  }
0x7b: {  	[tilespmem:s15], [sflag:$0x1] =	stream.indirect.gather [spmem:s3], $0x1, s14, s11, $0xb8;
	[tilespmem:$0x1D370] =	vst v63  }
0x7c: {  	_ = 	snop  }
0x7d: {  	[tilespmem:s17], [sflag:$0x1] =	stream.indirect.gather [spmem:s3], $0x1, s16, s11, $0xb8;
	[tilespmem:$0x1D370] =	vst v63  }
0x7e: {  	s28 =	simm.s32 $0x60;
	s29 =	simm.s32 $0x1960  }
0x7f: {  	[tilespmem:s19], [sflag:$0x1] =	stream.indirect.gather [spmem:s3], $0x1, s18, s11, $0xb8;
	[tilespmem:$0x1D370] =	vst v63  }
0x80: {  	s30 =	simm.s32 $0x0;
	s31 =	simm.s32 $0x0;
	s2 =	simm.s32 $0x0  }
0x81: {  	[tilespmem:s21], [sflag:$0x1] =	stream.indirect.gather [spmem:s3], $0x1, s20, s11, $0xb8;
	[tilespmem:$0x1D370] =	vst v63  }
.LBB2_2:
0x82: {  	_ =	swait.ge [sflag:s22], $0xC8  }
0x83: {  	[sflag:s22] =	ssyncset.done $0x0  }
0x84: {  	[sflag:s22] =	ssyncadd.s32 $0xFFFFFF38  }
0x85: {  	v13 =	vld [tilespmem:s28+$0xFFFFFFA0];
	_ =	sdelay $0x7  }
0x86: {  	[tilespmem:v13+s23+$0x0] =	vst.idx.msk $0xffff, v0  }
0x87: {  	v13 =	vld [tilespmem:s28+$0xFFFFFFB0];
	_ =	sdelay $0x7  }
0x88: {  	[tilespmem:v13+s23+$0x0] =	vst.idx.msk $0xffff, v1  }
0x89: {  	v13 =	vld [tilespmem:s28+$0xFFFFFFC0];
	_ =	sdelay $0x7  }
0x8a: {  	[tilespmem:v13+s23+$0x0] =	vst.idx.msk $0xffff, v2  }
0x8b: {  	v13 =	vld [tilespmem:s28+$0xFFFFFFD0];
	_ =	sdelay $0x7  }
0x8c: {  	[tilespmem:v13+s23+$0x0] =	vst.idx.msk $0xffff, v3  }
0x8d: {  	v13 =	vld [tilespmem:s28+$0xFFFFFFE0];
	_ =	sdelay $0x7  }
0x8e: {  	[tilespmem:v13+s23+$0x0] =	vst.idx.msk $0xffff, v4  }
0x8f: {  	v13 =	vld [tilespmem:s28+$0xFFFFFFF0];
	_ =	sdelay $0x7  }
0x90: {  	[tilespmem:v13+s23+$0x0] =	vst.idx.msk $0xffff, v5  }
0x91: {  	v13 =	vld [tilespmem:s28+$0x0];
	_ =	sdelay $0x7  }
0x92: {  	[tilespmem:v13+s23+$0x0] =	vst.idx.msk $0xffff, v6  }
0x93: {  	v13 =	vld [tilespmem:s28+$0x10];
	_ =	sdelay $0x7  }
0x94: {  	s0 =	sand.u32 $0x1FF8, s31;
	[tilespmem:v13+s23+$0x0] =	vst.idx.msk $0xffff, v7  }
0x95: {  	v13 =	vld [tilespmem:s0+$0x80];
	_ =	sdelay $0x7  }
0x96: {  	[tilespmem:v13+s23+$0x0] =	vst.idx.msk $0xffff, v8  }
0x97: {  	v13 =	vld [tilespmem:s28+$0x30];
	_ =	sdelay $0x7  }
0x98: {  	[tilespmem:v13+s23+$0x0] =	vst.idx.msk $0xffff, v9  }
0x99: {  	v13 =	vld [tilespmem:s28+$0x40];
	_ =	sdelay $0x7  }
0x9a: {  	[tilespmem:v13+s23+$0x0] =	vst.idx.msk $0xffff, v10  }
0x9b: {  	v13 =	vld [tilespmem:s28+$0x50];
	_ =	sdelay $0x5  }
0x9c: {  	p1 =	seq.s32 s31, $0x1838;
	s1 =	simm.s32 $0xFFFFFFF8  }
0x9d: {  	s1 =	simm.s32 @!p1 $0x0  }
0x9e: {  	s1 =	sadd.s32 s31, s1;
	[tilespmem:v13+s23+$0x0] =	vst.idx.msk $0xffff, v11  }
0x9f: {  	vm2 =	vmmov vm0;
	v13 =	vld [tilespmem:s1+$0xC0]  }
0xa0: {  	vm2 =	vmneg @p1 vm2  }
0xa1: {  	vm2 =	vmxor vm2, vm1;
	_ =	sdelay $0x2  }
0xa2: {  	s12 =	simm.s32 $0xB8  }
0xa3: {  	s12 =	simm.s32 @!p1 $0xC0  }
0xa4: {  	v14 =	vadd.s32 s12, v0  }
0xa5: {  	v15 =	vld [tilespmem:s1+$0x19C0];
	[tilespmem:v13+s23+$0x0] =	vst.idx.msk vm2, v14  }
0xa6: {  	v16 =	vld [tilespmem:s28+$0xFFFFFFA0]  }
0xa7: {  	v17 =	vld [tilespmem:s28+$0xFFFFFFB0]  }
0xa8: {  	v18 =	vld [tilespmem:s28+$0xFFFFFFC0]  }
0xa9: {  	v19 =	vld [tilespmem:s28+$0xFFFFFFD0]  }
0xaa: {  	v20 =	vld [tilespmem:s29+$0xFFFFFFA0]  }
0xab: {  	v21 =	vld [tilespmem:s28+$0xFFFFFFE0]  }
0xac: {  	v22 =	vld [tilespmem:s29+$0xFFFFFFB0]  }
0xad: {  	v23 =	vld [tilespmem:s28+$0xFFFFFFF0]  }
0xae: {  	v24 =	vld [tilespmem:s29+$0xFFFFFFC0]  }
0xaf: {  	v25 =	vld [tilespmem:s28+$0x0]  }
0xb0: {  	v26 =	vld [tilespmem:s29+$0xFFFFFFD0]  }
0xb1: {  	v27 =	vld [tilespmem:s29+$0xFFFFFFE0]  }
0xb2: {  	v28 =	vld [tilespmem:s28+$0x10]  }
0xb3: {  	v29 =	vld [tilespmem:s29+$0xFFFFFFF0]  }
0xb4: {  	v16 =	vld.idx.msk [tilespmem:v16+s23+$0x0], $0xffff  }
0xb5: {  	v17 =	vld.idx.msk [tilespmem:v17+s23+$0x0], $0xffff  }
0xb6: {  	v41 =	vld [tilespmem:s0+$0x80]  }
0xb7: {  	v18 =	vld.idx.msk [tilespmem:v18+s23+$0x0], $0xffff  }
0xb8: {  	v45 =	vld [tilespmem:s28+$0x30]  }
0xb9: {  	v20 =	vadd.f32 $0.0e+00, v20;
	v19 =	vld.idx.msk [tilespmem:v19+s23+$0x0], $0xffff  }
0xba: {  	v47 =	vld [tilespmem:s29+$0x0];
	vm3 =	veq.s32 v16, v0;
	vm4 =	veq.s32 v17, v1  }
0xbb: {  	v21 =	vld.idx.msk [tilespmem:v21+s23+$0x0], $0xffff;
	v42 =	vnsel vm3, $0x0, v20;
	v43 =	vnsel vm4, $0x0, v22  }
0xbc: {  	v48 =	vld [tilespmem:s28+$0x40];
	vm3 =	veq.s32 v18, v2;
	v17 =	vadd.f32 v43, v42  }
0xbd: {  	v23 =	vld.idx.msk [tilespmem:v23+s23+$0x0], $0xffff;
	v46 =	vnsel vm3, $0x0, v24  }
0xbe: {  	v51 =	vld [tilespmem:s28+$0x50];
	vm3 =	veq.s32 v19, v3;
	v17 =	vadd.f32 v46, v17  }
0xbf: {  	v44 =	vld.idx.msk [tilespmem:v25+s23+$0x0], $0xffff;
	v49 =	vnsel vm3, $0x0, v26  }
0xc0: {  	v52 =	vld [tilespmem:s29+$0x10];
	vm3 =	veq.s32 v21, v4;
	v17 =	vadd.f32 v49, v17  }
0xc1: {  	v50 =	vld.idx.msk [tilespmem:v28+s23+$0x0], $0xffff;
	v21 =	vnsel vm3, $0x0, v27  }
0xc2: {  	v54 =	vld [tilespmem:s0+$0x1980];
	vm3 =	veq.s32 v23, v5;
	v17 =	vadd.f32 v21, v17  }
0xc3: {  	v16 =	vld.idx.msk [tilespmem:v41+s23+$0x0], $0xffff;
	v53 =	vnsel vm3, $0x0, v29  }
0xc4: {  	v56 =	vld [tilespmem:s29+$0x30];
	vm3 =	veq.s32 v44, v6;
	v17 =	vadd.f32 v53, v17  }
0xc5: {  	v18 =	vld.idx.msk [tilespmem:v45+s23+$0x0], $0xffff;
	v55 =	vnsel vm3, $0x0, v47  }
0xc6: {  	v58 =	vld [tilespmem:s29+$0x40];
	vm3 =	veq.s32 v50, v7;
	v17 =	vadd.f32 v55, v17  }
0xc7: {  	v19 =	vld.idx.msk [tilespmem:v48+s23+$0x0], $0xffff;
	v57 =	vnsel vm3, $0x0, v52  }
0xc8: {  	v61 =	vld [tilespmem:s29+$0x50];
	vm3 =	veq.s32 v16, v8;
	v17 =	vadd.f32 v57, v17  }
0xc9: {  	v59 =	vld.idx.msk [tilespmem:v51+s23+$0x0], $0xffff;
	v60 =	vnsel vm3, $0x0, v54  }
0xca: {  	v13 =	vld.idx.msk [tilespmem:v13+s23+$0x0], $0xffff;
	vm3 =	veq.s32 v18, v9;
	v17 =	vadd.f32 v60, v17  }
0xcb: {  	v18 =	vnsel vm3, $0x0, v56  }
0xcc: {  	s12 =	sand.u32 $0xF, s2;
	vm3 =	veq.s32 v19, v10;
	v17 =	vadd.f32 v18, v17  }
0xcd: {  	p1 =	sne.s32 s12, $0xF;
	v62 =	vnsel vm3, $0x0, v58  }
0xce: {  	v16 =	vlaneseq.u32 @!p1;
	vm3 =	veq.s32 v59, v11;
	v17 =	vadd.f32 v62, v17  }
0xcf: {  	v63 =	vnsel vm3, $0x0, v61;
	vm3 =	veq.s32 v13, v14;
	v13 =	vmul.u32 @!p1 $0x10, v16  }
0xd0: {  	vm2 =	vmand vm2, vm3;
	v14 =	vadd.f32 v63, v17  }
0xd1: {  	v15 =	vnsel vm2, $0x0, v15  }
0xd2: {  	v14 =	vadd.f32 v15, v14;
	v15 =	vor.u32 @!p1 $0x1, v13  }
0xd3: {  	s0 =	sshll.u32 s12, $0x4  }
0xd4: {  	[tilespmem:s0+$0x1B900] =	vst v14;
	s0 =	simm.s32 @!p1 $0x1B900;
	v14 =	vor.u32 @!p1 $0x2, v13  }
0xd5: {  	v16 =	vld.idx.msk @!p1 [tilespmem:v13+s0+$0x0], $0xffff  }
0xd6: {  	v17 =	vor.u32 @!p1 $0x3, v13  }
0xd7: {  	v15 =	vld.idx.msk @!p1 [tilespmem:v15+s0+$0x0], $0xffff  }
0xd8: {  	v18 =	vor.u32 @!p1 $0x4, v13  }
0xd9: {  	v14 =	vld.idx.msk @!p1 [tilespmem:v14+s0+$0x0], $0xffff  }
0xda: {  	v19 =	vor.u32 @!p1 $0x5, v13;
	v16 =	vadd.f32 @!p1 $0.0e+00, v16  }
0xdb: {  	v17 =	vld.idx.msk @!p1 [tilespmem:v17+s0+$0x0], $0xffff  }
0xdc: {  	v15 =	vadd.f32 @!p1 v15, v16;
	v16 =	vor.u32 @!p1 $0x6, v13  }
0xdd: {  	v18 =	vld.idx.msk @!p1 [tilespmem:v18+s0+$0x0], $0xffff  }
0xde: {  	v14 =	vadd.f32 @!p1 v14, v15;
	v15 =	vor.u32 @!p1 $0x7, v13  }
0xdf: {  	v19 =	vld.idx.msk @!p1 [tilespmem:v19+s0+$0x0], $0xffff  }
0xe0: {  	v14 =	vadd.f32 @!p1 v17, v14;
	v17 =	vor.u32 @!p1 $0x8, v13  }
0xe1: {  	v16 =	vld.idx.msk @!p1 [tilespmem:v16+s0+$0x0], $0xffff  }
0xe2: {  	v14 =	vadd.f32 @!p1 v18, v14;
	v18 =	vor.u32 @!p1 $0x9, v13  }
0xe3: {  	v15 =	vld.idx.msk @!p1 [tilespmem:v15+s0+$0x0], $0xffff  }
0xe4: {  	v14 =	vadd.f32 @!p1 v19, v14;
	v19 =	vor.u32 @!p1 $0xA, v13  }
0xe5: {  	v17 =	vld.idx.msk @!p1 [tilespmem:v17+s0+$0x0], $0xffff  }
0xe6: {  	v14 =	vadd.f32 @!p1 v16, v14;
	v16 =	vor.u32 @!p1 $0xB, v13  }
0xe7: {  	v18 =	vld.idx.msk @!p1 [tilespmem:v18+s0+$0x0], $0xffff  }
0xe8: {  	v14 =	vadd.f32 @!p1 v15, v14;
	v15 =	vor.u32 @!p1 $0xC, v13  }
0xe9: {  	v19 =	vld.idx.msk @!p1 [tilespmem:v19+s0+$0x0], $0xffff  }
0xea: {  	v14 =	vadd.f32 @!p1 v17, v14;
	v17 =	vor.u32 @!p1 $0xD, v13  }
0xeb: {  	v16 =	vld.idx.msk @!p1 [tilespmem:v16+s0+$0x0], $0xffff  }
0xec: {  	v14 =	vadd.f32 @!p1 v18, v14;
	v18 =	vor.u32 @!p1 $0xE, v13  }
0xed: {  	v15 =	vld.idx.msk @!p1 [tilespmem:v15+s0+$0x0], $0xffff  }
0xee: {  	v13 =	vor.u32 @!p1 $0xF, v13;
	v14 =	vadd.f32 @!p1 v19, v14  }
0xef: {  	v17 =	vld.idx.msk @!p1 [tilespmem:v17+s0+$0x0], $0xffff  }
0xf0: {  	v14 =	vadd.f32 @!p1 v16, v14  }
0xf1: {  	v16 =	vld.idx.msk @!p1 [tilespmem:v18+s0+$0x0], $0xffff  }
0xf2: {  	v14 =	vadd.f32 @!p1 v15, v14  }
0xf3: {  	v13 =	vld.idx.msk @!p1 [tilespmem:v13+s0+$0x0], $0xffff  }
0xf4: {  	v14 =	vadd.f32 @!p1 v17, v14;
	_ =	sdelay $0x1  }
0xf5: {  	v14 =	vadd.f32 @!p1 v16, v14;
	_ =	sdelay $0x1  }
0xf6: {  	v13 =	vadd.f32 @!p1 v13, v14;
	_ =	sdelay $0x1  }
0xf7: {  	v13 =	vadd.f32 @!p1 v13, v12;
	_ =	sdelay $0x1  }
0xf8: {  	v13 =	vsub.f32 @!p1 $0.0e+00, v13;
	_ =	sdelay $0x1  }
0xf9: {  	v13 =	vmul.f32 @!p1 $1.442695020e+00, v13;
	_ =	sdelay $0x1  }
0xfa: {  	(erf) = vpow2.f32 @!p1 v13;
	_ =	sdelay $0x8  }
0xfb: {  	v13 =	vpop @!p1 (erf)  }
0xfc: {  	v13 =	vadd.f32 @!p1 $1.000000000e+00, v13;
	_ =	sdelay $0x1  }
0xfd: {  	(erf) = vrcp.f32 @!p1 v13;
	_ =	sdelay $0x3  }
0xfe: {  	s31 =	sadd.s32 $0xC8, s31  }
0xff: {  	p2 =	sne.s32 s31, $0x1900  }
.Ltmp0:
0x100: {  	_ = 	snop;
	(pc) =	sbr.rel @p2 .LBB2_2-.Ltmp0, $4  }
0x101: {  	_ = 	snop  }
0x102: {  	s0 =	sand.u32 @!p1 $0x40, s30  }
0x103: {  	s2 =	sadd.s32 $0x1, s2;
	s0 =	sshrl.u32 @!p1 s0, $0x2;
	v13 =	vpop @!p1 (erf)  }
0x104: {  	s28 =	sadd.s32 $0xC8, s28;
	s29 =	sadd.s32 $0xC8, s29;
	s30 =	sadd.s32 $0x4, s30;
	[tilespmem:s0+$0x1BA00] =	vst @!p1 v13  }
0x105: {  	s26 =	sadd.s32 $0x1, s26  }
0x106: {  	p1 =	sne.s32 s26, s7  }
.Ltmp1:
0x107: {  	_ = 	snop;
	(pc) =	sbr.rel @p1 .LBB2_1-.Ltmp1, $4  }
0x108: {  	[hbm4b:s6+s4] =	stream.linear.scatter [tilespmem:s24], [sflag:$0x4], $0x20, $0x38;
	[tilespmem:$0x1D370] =	vst v63  }
0x109: {  	_ =	swait.ge [sflag:s25], $0x20  }
0x10a: {  	[sflag:s25] =	ssyncset.done $0x0  }
0x10b: {  	[sflag:s25] =	ssyncadd.s32 $0xFFFFFFE0  }
0x10c: {  	_ =	sfence.sel $0x180000  }
0x10d: {  	[bflag:$0x0] =	sbarrier.arrive $0xFFFF  }
0x10e: {  	_ =	strace $0x90000047  }
0x10f: {  	[bflag:$0x2] =	sbarrier.arrive $0xFFFF  }
0x110: {  	s0 =	rddreg [dreg:$0x5]  }
0x111: {  	s0 =	sadd.s32 @!p0 $0x100000, s0  }
0x112: {  	[sflag:s0] =	ssyncadd.tile.s32 @!p0 $0x1;
	_ =	shalt  }
.Lfunc_end2:
_tile_overlayer_lowered:
.L_overlay_start_2:
0x113: {  	(tag) =	ssettag $0x2  }
0x114: {  	s0 =	rddreg [dreg:$0x0];
	s2 =	stileid.u32  }
0x115: {  	s1 =	rddreg [dreg:$0x1];
	p0 =	sne.s32 s2, $0x0  }
0x116: {  	s3 =	rddreg [dreg:$0x2];
	[bflag:$0x3] =	sbarrier.arrive $0xFFFF;
	s2 =	simm.s32 @!p0 $0x1C04  }
0x117: {  	[timem:s3], [sflag:s2] =	dma.local @!p0 [hbm:s0], s1  }
0x118: {  	s0 =	simm.s32 @!p0 $0x4  }
0x119: {  	_ =	swait.ge @!p0 [sflag:s0], s1  }
0x11a: {  	s1 =	ssub.s32 @!p0 $0x0, s1;
	[sflag:s0] =	ssyncset.done @!p0 $0x0  }
0x11b: {  	[sflag:s0] =	ssyncadd.s32 @!p0 s1  }
0x11c: {  	[bflag:$0x3] =	sbarrier.arrive $0xFFFF  }
0x11d: {  	_ =	shalt  }

</sc_bundles>
